<compile_context>
chip_gen: v7x
topology: tpu7x:2x2x1
jax: 0.10.2.dev20260603
libtpu: 0.0.44.dev20260713+nightly
codegen_flags: <defaults>
</compile_context>

<pallas_src>
import jax
import jax.numpy as jnp
from jax.experimental import pallas as pl

_B = 16384
_IN = 768
_HID = 32
_K = 256
_L = 3
_BETA = 0.25
_TB = 1024


def _fused(x_ref,
           ew0, eb0, ew1, eb1, ew2, eb2, ew3, eb3,
           dw0, db0, dw1, db1, dw2, db2, dw3, db3,
           lng, lnb, cbh_ref, cb3_ref, y2_ref,
           out_ref, idx_ref, qrep_ref, loss_ref, gap_ref):
    f32 = jnp.float32
    bf16 = jnp.bfloat16

    def mm(a, w):
        return jnp.dot(a.astype(bf16), w[...], preferred_element_type=f32)

    h = x_ref[...]
    for w, b, act in ((ew0, eb0, True), (ew1, eb1, True),
                      (ew2, eb2, True), (ew3, eb3, False)):
        h = mm(h, w) + b[...]
        if act:
            h = jnp.maximum(h, 0.0)
    mu = jnp.mean(h, axis=1, keepdims=True)
    var = jnp.mean((h - mu) ** 2, axis=1, keepdims=True)
    enc = (h - mu) / jnp.sqrt(var + 1e-5) * lng[...] + lnb[...]
    res = enc
    qrep = jnp.zeros_like(enc)
    sqacc = jnp.zeros_like(enc)
    idx_cols = []
    gap_cols = []
    iota = jax.lax.broadcasted_iota(jnp.int32, (_TB, _K), 1)
    for level in range(_L):
        x2 = jnp.sum(res * res, axis=1, keepdims=True)
        y2 = y2_ref[level]
        rc = jax.lax.dot_general(res.astype(bf16), cbh_ref[level],
                                 (((1,), (1,)), ((), ())),
                                 preferred_element_type=f32)
        d = (x2 + y2) - 2.0 * rc
        u = jax.lax.bitcast_convert_type(d + jnp.float32(4096.0), jnp.int32)
        key = (u & jnp.int32(-256)) | iota
        kmin = jnp.min(key, axis=1, keepdims=True)
        idx = kmin & jnp.int32(255)
        k2 = jnp.min(jnp.where(key == kmin, jnp.int32(0x7FFFFFFF), key),
                     axis=1, keepdims=True)
        m1f = jax.lax.bitcast_convert_type(kmin & jnp.int32(-256), jnp.float32)
        m2f = jax.lax.bitcast_convert_type(k2 & jnp.int32(-256), jnp.float32)
        gap_cols.append(m2f - m1f)
        oh = (iota == idx).astype(bf16)
        q3 = jnp.dot(oh, cb3_ref[level], preferred_element_type=f32)
        qv = (q3[:, :_HID] + q3[:, _HID:2 * _HID]) + q3[:, 2 * _HID:]
        sqacc = sqacc + (res - qv) ** 2
        qrep = qrep + qv
        res = res - qv
        idx_cols.append(idx)
    qrep_ref[...] = qrep
    idx_ref[...] = jnp.concatenate(idx_cols, axis=1)
    gap_ref[...] = jnp.concatenate(gap_cols, axis=1)
    h = qrep
    for w, b, act in ((dw0, db0, True), (dw1, db1, True),
                      (dw2, db2, True), (dw3, db3, False)):
        h = mm(h, w) + b[...]
        if act:
            h = jnp.maximum(h, 0.0)
    out_ref[...] = h
    part = jnp.reshape(_BETA * jnp.sum(sqacc) / jnp.asarray(_B * _HID,
                                                            jnp.float32),
                       (1, 1))
    @pl.when(pl.program_id(0) == 0)
    def _init():
        loss_ref[...] = part
    @pl.when(pl.program_id(0) != 0)
    def _acc():
        loss_ref[...] = loss_ref[...] + part


def kernel(x, enc_W0, enc_b0, enc_W1, enc_b1, enc_W2, enc_b2, enc_W3, enc_b3,
           dec_W0, dec_b0, dec_W1, dec_b1, dec_W2, dec_b2, dec_W3, dec_b3,
           ln_g, ln_b, codebooks):
    eb = [b.reshape(1, -1) for b in (enc_b0, enc_b1, enc_b2, enc_b3)]
    db = [b.reshape(1, -1) for b in (dec_b0, dec_b1, dec_b2, dec_b3)]
    lng = ln_g.reshape(1, -1)
    lnb = ln_b.reshape(1, -1)
    ews = [w.astype(jnp.bfloat16) for w in (enc_W0, enc_W1, enc_W2, enc_W3)]
    dws = [w.astype(jnp.bfloat16) for w in (dec_W0, dec_W1, dec_W2, dec_W3)]
    cb_bf16 = codebooks.astype(jnp.bfloat16)
    hi = codebooks.astype(jnp.bfloat16)
    r1 = codebooks - hi.astype(jnp.float32)
    mid = r1.astype(jnp.bfloat16)
    lo = (r1 - mid.astype(jnp.float32)).astype(jnp.bfloat16)
    cb3 = jnp.concatenate([hi, mid, lo], axis=2)
    y2 = jnp.sum(codebooks ** 2, axis=2)[:, None, :]

    def fixed(shape):
        return pl.BlockSpec(shape, lambda i: (0,) * len(shape))

    in_specs = [pl.BlockSpec((_TB, _IN), lambda i: (i, 0))]
    ops = []
    for w, b in zip(ews, eb):
        in_specs += [fixed(w.shape), fixed(b.shape)]
        ops += [w, b]
    for w, b in zip(dws, db):
        in_specs += [fixed(w.shape), fixed(b.shape)]
        ops += [w, b]
    in_specs += [fixed(lng.shape), fixed(lnb.shape),
                 fixed(cb_bf16.shape), fixed(cb3.shape), fixed(y2.shape)]
    ops += [lng, lnb, cb_bf16, cb3, y2]

    out_shape = [
        jax.ShapeDtypeStruct((_B, _IN), jnp.float32),
        jax.ShapeDtypeStruct((_B, _L), jnp.int32),
        jax.ShapeDtypeStruct((_B, _HID), jnp.float32),
        jax.ShapeDtypeStruct((1, 1), jnp.float32),
        jax.ShapeDtypeStruct((_B, _L), jnp.float32),
    ]
    out_specs = [
        pl.BlockSpec((_TB, _IN), lambda i: (i, 0)),
        pl.BlockSpec((_TB, _L), lambda i: (i, 0)),
        pl.BlockSpec((_TB, _HID), lambda i: (i, 0)),
        pl.BlockSpec((1, 1), lambda i: (0, 0)),
        pl.BlockSpec((_TB, _L), lambda i: (i, 0)),
    ]
    out, idx, qrep, loss, gaps = pl.pallas_call(
        _fused,
        grid=(_B // _TB,),
        in_specs=in_specs,
        out_specs=out_specs,
        out_shape=out_shape,
    )(x, *ops)

    flag = jnp.any(gaps < jnp.float32(0.04), axis=1)
    rows = jnp.where(flag, size=_MAXFIX, fill_value=_B)[0]
    h_r, idx_r, qrep_r = _repair_rows(
        x[jnp.minimum(rows, _B - 1)], enc_W0, enc_b0, enc_W1, enc_b1, enc_W2,
        enc_b2, enc_W3, enc_b3, dec_W0, dec_b0, dec_W1, dec_b1, dec_W2,
        dec_b2, dec_W3, dec_b3, ln_g, ln_b, codebooks)
    out = out.at[rows].set(h_r, mode="drop")
    idx = idx.at[rows].set(idx_r, mode="drop")
    qrep = qrep.at[rows].set(qrep_r, mode="drop")
    return (out, idx, qrep, loss[0, 0])


_MAXFIX = 768


def _repair_rows(xs, enc_W0, enc_b0, enc_W1, enc_b1, enc_W2, enc_b2, enc_W3,
                 enc_b3, dec_W0, dec_b0, dec_W1, dec_b1, dec_W2, dec_b2,
                 dec_W3, dec_b3, ln_g, ln_b, codebooks):
    h = xs
    for w, b, act in ((enc_W0, enc_b0, True), (enc_W1, enc_b1, True),
                      (enc_W2, enc_b2, True), (enc_W3, enc_b3, False)):
        h = h @ w + b
        if act:
            h = jax.nn.relu(h)
    mu = h.mean(axis=-1, keepdims=True)
    var = ((h - mu) ** 2).mean(axis=-1, keepdims=True)
    enc = (h - mu) / jnp.sqrt(var + 1e-5) * ln_g + ln_b
    residual = enc
    qrep = jnp.zeros_like(enc)
    idxs = []
    for level in range(_L):
        cb = codebooks[level]
        x2 = jnp.sum(residual ** 2, axis=1, keepdims=True)
        y2 = jnp.sum(cb ** 2, axis=1)[None, :]
        d = x2 + y2 - 2.0 * (residual @ cb.T)
        idx = jnp.argmin(d, axis=1)
        qv = jnp.take(cb, idx, axis=0)
        qrep = qrep + qv
        idxs.append(idx)
        residual = residual - qv
    h = qrep
    for w, b, act in ((dec_W0, dec_b0, True), (dec_W1, dec_b1, True),
                      (dec_W2, dec_b2, True), (dec_W3, dec_b3, False)):
        h = h @ w + b
        if act:
            h = jnp.maximum(h, 0.0)
    return h, jnp.stack(idxs, axis=1), qrep

# --- scband reference (transcript-rebuilt; emitter-appended) ---
"""Pipeline reference for scband-quantizer-29884382446082 (READ-ONLY COPY).

The authoritative reference and input builder live on the scoring server;
editing this copy changes nothing except your own understanding.
"""

import jax, jax.numpy as jnp
import numpy as np

B = 16384
IN_DIM = 768
HID = 32
K = 256
L = 3
BETA = 0.25

def _init_linear(key, fan_in, fan_out):
    k1, k2 = jax.random.split(key)
    lim = 1.0 / np.sqrt(fan_in)
    W = jax.random.uniform(k1, (fan_in, fan_out), jnp.float32, -lim, lim)
    b = jax.random.uniform(k2, (fan_out,), jnp.float32, -lim, lim)
    return W, b

def setup_inputs(seed=0):
    key = jax.random.key(seed)
    ks = jax.random.split(key, 12)
    x = jax.random.normal(ks[0], (B, IN_DIM), dtype=jnp.float32)
    enc_dims = [(IN_DIM, HID * 16), (HID * 16, HID * 8), (HID * 8, HID * 4), (HID * 4, HID)]
    dec_dims = [(HID, HID * 4), (HID * 4, HID * 8), (HID * 8, HID * 16), (HID * 16, IN_DIM)]
    inp = {"x": x}
    for i, (fi, fo) in enumerate(enc_dims):
        W, b = _init_linear(ks[1 + i], fi, fo)
        inp[f"enc_W{i}"] = W
        inp[f"enc_b{i}"] = b
    for i, (fi, fo) in enumerate(dec_dims):
        W, b = _init_linear(ks[5 + i], fi, fo)
        inp[f"dec_W{i}"] = W
        inp[f"dec_b{i}"] = b
    inp["ln_g"] = jnp.ones((HID,), jnp.float32)
    inp["ln_b"] = jnp.zeros((HID,), jnp.float32)
    inp["codebooks"] = jax.random.normal(ks[9], (L, K, HID), dtype=jnp.float32)
    return inp

def _layernorm(h, g, b, eps=1e-5):
    mu = h.mean(axis=-1, keepdims=True)
    var = ((h - mu) ** 2).mean(axis=-1, keepdims=True)
    return (h - mu) / jnp.sqrt(var + eps) * g + b

def reference(x, enc_W0, enc_b0, enc_W1, enc_b1, enc_W2, enc_b2, enc_W3, enc_b3,
              dec_W0, dec_b0, dec_W1, dec_b1, dec_W2, dec_b2, dec_W3, dec_b3,
              ln_g, ln_b, codebooks):
    p = {
        "x": x,
        "enc_W0": enc_W0, "enc_b0": enc_b0,
        "enc_W1": enc_W1, "enc_b1": enc_b1,
        "enc_W2": enc_W2, "enc_b2": enc_b2,
        "enc_W3": enc_W3, "enc_b3": enc_b3,
        "dec_W0": dec_W0, "dec_b0": dec_b0,
        "dec_W1": dec_W1, "dec_b1": dec_b1,
        "dec_W2": dec_W2, "dec_b2": dec_b2,
        "dec_W3": dec_W3, "dec_b3": dec_b3,
        "ln_g": ln_g, "ln_b": ln_b,
        "codebooks": codebooks,
    }
    # encoder: Linear-ReLU x3 then Linear, followed by LayerNorm
    h = p["x"]
    for i in range(4):
        h = h @ p[f"enc_W{i}"] + p[f"enc_b{i}"]
        if i < 3:
            h = jax.nn.relu(h)
    encoded = _layernorm(h, p["ln_g"], p["ln_b"])
    # residual quantization (eval mode: no EMA updates)
    cbs = p["codebooks"]
    residual = encoded
    qrep = jnp.zeros_like(encoded)
    loss = jnp.asarray(0.0, jnp.float32)
    idxs = []
    for level in range(L):
        cb = cbs[level]
        x2 = jnp.sum(residual ** 2, axis=1, keepdims=True)
        y2 = jnp.sum(cb ** 2, axis=1)[None, :]
        d = x2 + y2 - 2.0 * (residual @ cb.T)
        idx = jnp.argmin(d, axis=1)
        qv = jnp.take(cb, idx, axis=0)
        loss = loss + BETA * jnp.mean((residual - jax.lax.stop_gradient(qv)) ** 2)
        qrep = qrep + qv
        idxs.append(idx)
        residual = residual - jax.lax.stop_gradient(qv)
    code_indices = jnp.stack(idxs, axis=1)
    quantizer_rep_st = encoded + jax.lax.stop_gradient(qrep - encoded)
    # decoder: Linear-ReLU x3 then Linear
    h = quantizer_rep_st
    for i in range(4):
        h = h @ p[f"dec_W{i}"] + p[f"dec_b{i}"]
        if i < 3:
            h = jax.nn.relu(h)
    return (h, code_indices, quantizer_rep_st, loss)

if __name__ == "__main__":
    import jax
    _d = setup_inputs()
    print(jax.jit(kernel)(*tuple(_d.values())))

</pallas_src>

<mosaic_0001>
module attributes {stable_mosaic.version = 14 : i64} {
  func.func @_fused(%arg0: i32, %arg1: memref<1024x768xf32, #tpu.memory_space<vmem>>, %arg2: memref<768x512xbf16, #tpu.memory_space<vmem>>, %arg3: memref<1x512xf32, #tpu.memory_space<vmem>>, %arg4: memref<512x256xbf16, #tpu.memory_space<vmem>>, %arg5: memref<1x256xf32, #tpu.memory_space<vmem>>, %arg6: memref<256x128xbf16, #tpu.memory_space<vmem>>, %arg7: memref<1x128xf32, #tpu.memory_space<vmem>>, %arg8: memref<128x32xbf16, #tpu.memory_space<vmem>>, %arg9: memref<1x32xf32, #tpu.memory_space<vmem>>, %arg10: memref<32x128xbf16, #tpu.memory_space<vmem>>, %arg11: memref<1x128xf32, #tpu.memory_space<vmem>>, %arg12: memref<128x256xbf16, #tpu.memory_space<vmem>>, %arg13: memref<1x256xf32, #tpu.memory_space<vmem>>, %arg14: memref<256x512xbf16, #tpu.memory_space<vmem>>, %arg15: memref<1x512xf32, #tpu.memory_space<vmem>>, %arg16: memref<512x768xbf16, #tpu.memory_space<vmem>>, %arg17: memref<1x768xf32, #tpu.memory_space<vmem>>, %arg18: memref<1x32xf32, #tpu.memory_space<vmem>>, %arg19: memref<1x32xf32, #tpu.memory_space<vmem>>, %arg20: memref<3x256x32xbf16, #tpu.memory_space<vmem>>, %arg21: memref<3x256x96xbf16, #tpu.memory_space<vmem>>, %arg22: memref<3x1x256xf32, #tpu.memory_space<vmem>>, %arg23: memref<1024x768xf32, #tpu.memory_space<vmem>>, %arg24: memref<1024x3xi32, #tpu.memory_space<vmem>>, %arg25: memref<1024x32xf32, #tpu.memory_space<vmem>>, %arg26: memref<1x1xf32, #tpu.memory_space<vmem>>, %arg27: memref<1024x3xf32, #tpu.memory_space<vmem>>) attributes {dimension_semantics = [#tpu.dimension_semantics<arbitrary>], iteration_bounds = array<i64: 16>, scalar_prefetch = 0 : i64, scratch_operands = 0 : i64, tpu.core_type = #tpu.core_type<tc>, window_params = [{transform_indices = @transform_0, window_bounds = array<i64: 1024, 768>}, {pipeline_mode = #tpu.pipeline_mode<synchronous>, transform_indices = @transform_1, window_bounds = array<i64: 768, 512>}, {pipeline_mode = #tpu.pipeline_mode<synchronous>, transform_indices = @transform_2, window_bounds = array<i64: 1, 512>}, {pipeline_mode = #tpu.pipeline_mode<synchronous>, transform_indices = @transform_3, window_bounds = array<i64: 512, 256>}, {pipeline_mode = #tpu.pipeline_mode<synchronous>, transform_indices = @transform_4, window_bounds = array<i64: 1, 256>}, {pipeline_mode = #tpu.pipeline_mode<synchronous>, transform_indices = @transform_5, window_bounds = array<i64: 256, 128>}, {pipeline_mode = #tpu.pipeline_mode<synchronous>, transform_indices = @transform_6, window_bounds = array<i64: 1, 128>}, {pipeline_mode = #tpu.pipeline_mode<synchronous>, transform_indices = @transform_7, window_bounds = array<i64: 128, 32>}, {pipeline_mode = #tpu.pipeline_mode<synchronous>, transform_indices = @transform_8, window_bounds = array<i64: 1, 32>}, {pipeline_mode = #tpu.pipeline_mode<synchronous>, transform_indices = @transform_9, window_bounds = array<i64: 32, 128>}, {pipeline_mode = #tpu.pipeline_mode<synchronous>, transform_indices = @transform_10, window_bounds = array<i64: 1, 128>}, {pipeline_mode = #tpu.pipeline_mode<synchronous>, transform_indices = @transform_11, window_bounds = array<i64: 128, 256>}, {pipeline_mode = #tpu.pipeline_mode<synchronous>, transform_indices = @transform_12, window_bounds = array<i64: 1, 256>}, {pipeline_mode = #tpu.pipeline_mode<synchronous>, transform_indices = @transform_13, window_bounds = array<i64: 256, 512>}, {pipeline_mode = #tpu.pipeline_mode<synchronous>, transform_indices = @transform_14, window_bounds = array<i64: 1, 512>}, {pipeline_mode = #tpu.pipeline_mode<synchronous>, transform_indices = @transform_15, window_bounds = array<i64: 512, 768>}, {pipeline_mode = #tpu.pipeline_mode<synchronous>, transform_indices = @transform_16, window_bounds = array<i64: 1, 768>}, {pipeline_mode = #tpu.pipeline_mode<synchronous>, transform_indices = @transform_17, window_bounds = array<i64: 1, 32>}, {pipeline_mode = #tpu.pipeline_mode<synchronous>, transform_indices = @transform_18, window_bounds = array<i64: 1, 32>}, {pipeline_mode = #tpu.pipeline_mode<synchronous>, transform_indices = @transform_19, window_bounds = array<i64: 3, 256, 32>}, {pipeline_mode = #tpu.pipeline_mode<synchronous>, transform_indices = @transform_20, window_bounds = array<i64: 3, 256, 96>}, {pipeline_mode = #tpu.pipeline_mode<synchronous>, transform_indices = @transform_21, window_bounds = array<i64: 3, 1, 256>}, {transform_indices = @transform_22, window_bounds = array<i64: 1024, 768>}, {transform_indices = @transform_23, window_bounds = array<i64: 1024, 3>}, {transform_indices = @transform_24, window_bounds = array<i64: 1024, 32>}, {pipeline_mode = #tpu.pipeline_mode<synchronous>, transform_indices = @transform_25, window_bounds = array<i64: 1, 1>}, {transform_indices = @transform_26, window_bounds = array<i64: 1024, 3>}]} {
    %get3A = arith.constant 0 : index
    %get3A_0 = arith.constant 0 : index
    %get3A_1 = vector.load %arg1[%get3A, %get3A_0] : memref<1024x768xf32, #tpu.memory_space<vmem>>, vector<1024x768xf32>
    %convert_element_type3A = arith.truncf %get3A_1 : vector<1024x768xf32> to vector<1024x768xbf16>
    %get3A_2 = arith.constant 0 : index
    %get3A_3 = arith.constant 0 : index
    %get3A_4 = vector.load %arg2[%get3A_2, %get3A_3] : memref<768x512xbf16, #tpu.memory_space<vmem>>, vector<768x512xbf16>
    %dot_general3A = arith.constant dense<0.000000e+00> : vector<1024x512xf32>
    %dot_general3A_5 = tpu.matmul %convert_element_type3A, %get3A_4, %dot_general3A {dimension_numbers = #tpu.dot_dimension_numbers<[1], [0], [0], [1], [0, 0, 1, 1], [], []>, transpose_lhs_hint = false} : vector<1024x768xbf16>, vector<768x512xbf16>, vector<1024x512xf32> -> vector<1024x512xf32>
    %get3A_6 = arith.constant 0 : index
    %get3A_7 = arith.constant 0 : index
    %get3A_8 = vector.load %arg3[%get3A_6, %get3A_7] : memref<1x512xf32, #tpu.memory_space<vmem>>, vector<1x512xf32>
    %add3A = vector.broadcast %get3A_8 : vector<1x512xf32> to vector<1024x512xf32>
    %add3A_9 = arith.addf %dot_general3A_5, %add3A : vector<1024x512xf32>
    %max3A = arith.constant 0.000000e+00 : f32
    %max3A_10 = vector.broadcast %max3A : f32 to vector<1024x512xf32>
    %max3A_11 = arith.maximumf %add3A_9, %max3A_10 : vector<1024x512xf32>
    %convert_element_type3A_12 = arith.truncf %max3A_11 : vector<1024x512xf32> to vector<1024x512xbf16>
    %get3A_13 = arith.constant 0 : index
    %get3A_14 = arith.constant 0 : index
    %get3A_15 = vector.load %arg4[%get3A_13, %get3A_14] : memref<512x256xbf16, #tpu.memory_space<vmem>>, vector<512x256xbf16>
    %dot_general3A_16 = arith.constant dense<0.000000e+00> : vector<1024x256xf32>
    %dot_general3A_17 = tpu.matmul %convert_element_type3A_12, %get3A_15, %dot_general3A_16 {dimension_numbers = #tpu.dot_dimension_numbers<[1], [0], [0], [1], [0, 0, 1, 1], [], []>, transpose_lhs_hint = false} : vector<1024x512xbf16>, vector<512x256xbf16>, vector<1024x256xf32> -> vector<1024x256xf32>
    %get3A_18 = arith.constant 0 : index
    %get3A_19 = arith.constant 0 : index
    %get3A_20 = vector.load %arg5[%get3A_18, %get3A_19] : memref<1x256xf32, #tpu.memory_space<vmem>>, vector<1x256xf32>
    %add3A_21 = vector.broadcast %get3A_20 : vector<1x256xf32> to vector<1024x256xf32>
    %add3A_22 = arith.addf %dot_general3A_17, %add3A_21 : vector<1024x256xf32>
    %max3A_23 = arith.constant 0.000000e+00 : f32
    %max3A_24 = vector.broadcast %max3A_23 : f32 to vector<1024x256xf32>
    %max3A_25 = arith.maximumf %add3A_22, %max3A_24 : vector<1024x256xf32>
    %convert_element_type3A_26 = arith.truncf %max3A_25 : vector<1024x256xf32> to vector<1024x256xbf16>
    %get3A_27 = arith.constant 0 : index
    %get3A_28 = arith.constant 0 : index
    %get3A_29 = vector.load %arg6[%get3A_27, %get3A_28] : memref<256x128xbf16, #tpu.memory_space<vmem>>, vector<256x128xbf16>
    %dot_general3A_30 = arith.constant dense<0.000000e+00> : vector<1024x128xf32>
    %dot_general3A_31 = tpu.matmul %convert_element_type3A_26, %get3A_29, %dot_general3A_30 {dimension_numbers = #tpu.dot_dimension_numbers<[1], [0], [0], [1], [0, 0, 1, 1], [], []>, transpose_lhs_hint = false} : vector<1024x256xbf16>, vector<256x128xbf16>, vector<1024x128xf32> -> vector<1024x128xf32>
    %get3A_32 = arith.constant 0 : index
    %get3A_33 = arith.constant 0 : index
    %get3A_34 = vector.load %arg7[%get3A_32, %get3A_33] : memref<1x128xf32, #tpu.memory_space<vmem>>, vector<1x128xf32>
    %add3A_35 = vector.broadcast %get3A_34 : vector<1x128xf32> to vector<1024x128xf32>
    %add3A_36 = arith.addf %dot_general3A_31, %add3A_35 : vector<1024x128xf32>
    %max3A_37 = arith.constant 0.000000e+00 : f32
    %max3A_38 = vector.broadcast %max3A_37 : f32 to vector<1024x128xf32>
    %max3A_39 = arith.maximumf %add3A_36, %max3A_38 : vector<1024x128xf32>
    %convert_element_type3A_40 = arith.truncf %max3A_39 : vector<1024x128xf32> to vector<1024x128xbf16>
    %get3A_41 = arith.constant 0 : index
    %get3A_42 = arith.constant 0 : index
    %get3A_43 = vector.load %arg8[%get3A_41, %get3A_42] : memref<128x32xbf16, #tpu.memory_space<vmem>>, vector<128x32xbf16>
    %dot_general3A_44 = arith.constant dense<0.000000e+00> : vector<1024x32xf32>
    %dot_general3A_45 = tpu.matmul %convert_element_type3A_40, %get3A_43, %dot_general3A_44 {dimension_numbers = #tpu.dot_dimension_numbers<[1], [0], [0], [1], [0, 0, 1, 1], [], []>, transpose_lhs_hint = false} : vector<1024x128xbf16>, vector<128x32xbf16>, vector<1024x32xf32> -> vector<1024x32xf32>
    %get3A_46 = arith.constant 0 : index
    %get3A_47 = arith.constant 0 : index
    %get3A_48 = vector.load %arg9[%get3A_46, %get3A_47] : memref<1x32xf32, #tpu.memory_space<vmem>>, vector<1x32xf32>
    %add3A_49 = vector.broadcast %get3A_48 : vector<1x32xf32> to vector<1024x32xf32>
    %add3A_50 = arith.addf %dot_general3A_45, %add3A_49 : vector<1024x32xf32>
    %reduce_sum3A = arith.constant dense<0.000000e+00> : vector<1024xf32>
    %reduce_sum3A_51 = vector.multi_reduction <add>, %add3A_50, %reduce_sum3A [1] : vector<1024x32xf32> to vector<1024xf32>
    %broadcast_in_dim3A = vector.shape_cast %reduce_sum3A_51 : vector<1024xf32> to vector<1024x1xf32>
    %div3A = arith.constant 3.200000e+01 : f32
    %div3A_52 = vector.broadcast %div3A : f32 to vector<1024x1xf32>
    %div3A_53 = arith.divf %broadcast_in_dim3A, %div3A_52 : vector<1024x1xf32>
    %sub3A = vector.broadcast %div3A_53 : vector<1024x1xf32> to vector<1024x32xf32>
    %sub3A_54 = arith.subf %add3A_50, %sub3A : vector<1024x32xf32>
    %integer_pow3A = arith.mulf %sub3A_54, %sub3A_54 : vector<1024x32xf32>
    %reduce_sum3A_55 = arith.constant dense<0.000000e+00> : vector<1024xf32>
    %reduce_sum3A_56 = vector.multi_reduction <add>, %integer_pow3A, %reduce_sum3A_55 [1] : vector<1024x32xf32> to vector<1024xf32>
    %broadcast_in_dim3A_57 = vector.shape_cast %reduce_sum3A_56 : vector<1024xf32> to vector<1024x1xf32>
    %div3A_58 = arith.constant 3.200000e+01 : f32
    %div3A_59 = vector.broadcast %div3A_58 : f32 to vector<1024x1xf32>
    %div3A_60 = arith.divf %broadcast_in_dim3A_57, %div3A_59 : vector<1024x1xf32>
    %sub3A_61 = vector.broadcast %div3A_53 : vector<1024x1xf32> to vector<1024x32xf32>
    %sub3A_62 = arith.subf %add3A_50, %sub3A_61 : vector<1024x32xf32>
    %add3A_63 = arith.constant 9.99999974E-6 : f32
    %add3A_64 = vector.broadcast %add3A_63 : f32 to vector<1024x1xf32>
    %add3A_65 = arith.addf %div3A_60, %add3A_64 : vector<1024x1xf32>
    %sqrt3A = math.sqrt %add3A_65 : vector<1024x1xf32>
    %div3A_66 = vector.broadcast %sqrt3A : vector<1024x1xf32> to vector<1024x32xf32>
    %div3A_67 = arith.divf %sub3A_62, %div3A_66 : vector<1024x32xf32>
    %get3A_68 = arith.constant 0 : index
    %get3A_69 = arith.constant 0 : index
    %get3A_70 = vector.load %arg18[%get3A_68, %get3A_69] : memref<1x32xf32, #tpu.memory_space<vmem>>, vector<1x32xf32>
    %mul3A = vector.broadcast %get3A_70 : vector<1x32xf32> to vector<1024x32xf32>
    %mul3A_71 = arith.mulf %div3A_67, %mul3A : vector<1024x32xf32>
    %get3A_72 = arith.constant 0 : index
    %get3A_73 = arith.constant 0 : index
    %get3A_74 = vector.load %arg19[%get3A_72, %get3A_73] : memref<1x32xf32, #tpu.memory_space<vmem>>, vector<1x32xf32>
    %add3A_75 = vector.broadcast %get3A_74 : vector<1x32xf32> to vector<1024x32xf32>
    %add3A_76 = arith.addf %mul3A_71, %add3A_75 : vector<1024x32xf32>
    %broadcast_in_dim3A_77 = arith.constant 0.000000e+00 : f32
    %broadcast_in_dim3A_78 = vector.broadcast %broadcast_in_dim3A_77 : f32 to vector<1024x32xf32>
    %broadcast_in_dim3A_79 = arith.constant 0.000000e+00 : f32
    %broadcast_in_dim3A_80 = vector.broadcast %broadcast_in_dim3A_79 : f32 to vector<1024x32xf32>
    %iota3A = tpu.iota {dimensions = array<i32: 1>} : vector<1024x256xi32>
    %mul3A_81 = arith.mulf %add3A_76, %add3A_76 : vector<1024x32xf32>
    %reduce_sum3A_82 = arith.constant dense<0.000000e+00> : vector<1024xf32>
    %reduce_sum3A_83 = vector.multi_reduction <add>, %mul3A_81, %reduce_sum3A_82 [1] : vector<1024x32xf32> to vector<1024xf32>
    %broadcast_in_dim3A_84 = vector.shape_cast %reduce_sum3A_83 : vector<1024xf32> to vector<1024x1xf32>
    %get3A_85 = arith.constant 0 : index
    %get3A_86 = arith.constant 0 : index
    %get3A_87 = arith.constant 0 : index
    %get3A_88 = vector.load %arg22[%get3A_85, %get3A_86, %get3A_87] : memref<3x1x256xf32, #tpu.memory_space<vmem>>, vector<1x1x256xf32>
    %get3A_89 = vector.shape_cast %get3A_88 : vector<1x1x256xf32> to vector<1x256xf32>
    %convert_element_type3A_90 = arith.truncf %add3A_76 : vector<1024x32xf32> to vector<1024x32xbf16>
    %get3A_91 = arith.constant 0 : index
    %get3A_92 = arith.constant 0 : index
    %get3A_93 = arith.constant 0 : index
    %get3A_94 = vector.load %arg20[%get3A_91, %get3A_92, %get3A_93] : memref<3x256x32xbf16, #tpu.memory_space<vmem>>, vector<1x256x32xbf16>
    %get3A_95 = vector.shape_cast %get3A_94 : vector<1x256x32xbf16> to vector<256x32xbf16>
    %dot_general3A_96 = arith.constant dense<0.000000e+00> : vector<1024x256xf32>
    %dot_general3A_97 = tpu.matmul %convert_element_type3A_90, %get3A_95, %dot_general3A_96 {dimension_numbers = #tpu.dot_dimension_numbers<[1], [1], [0], [0], [0, 0, 1, 0], [], []>, transpose_lhs_hint = false} : vector<1024x32xbf16>, vector<256x32xbf16>, vector<1024x256xf32> -> vector<1024x256xf32>
    %add3A_98 = vector.broadcast %broadcast_in_dim3A_84 : vector<1024x1xf32> to vector<1024x256xf32>
    %add3A_99 = vector.broadcast %get3A_89 : vector<1x256xf32> to vector<1024x256xf32>
    %add3A_100 = arith.addf %add3A_98, %add3A_99 : vector<1024x256xf32>
    %mul3A_101 = arith.constant 2.000000e+00 : f32
    %mul3A_102 = vector.broadcast %mul3A_101 : f32 to vector<1024x256xf32>
    %mul3A_103 = arith.mulf %mul3A_102, %dot_general3A_97 : vector<1024x256xf32>
    %sub3A_104 = arith.subf %add3A_100, %mul3A_103 : vector<1024x256xf32>
    %add3A_105 = arith.constant 4.096000e+03 : f32
    %add3A_106 = vector.broadcast %add3A_105 : f32 to vector<1024x256xf32>
    %add3A_107 = arith.addf %sub3A_104, %add3A_106 : vector<1024x256xf32>
    %bitcast_convert_type3A = tpu.bitcast %add3A_107 : vector<1024x256xf32> -> vector<1024x256xi32>
    %and3A = arith.constant -256 : i32
    %and3A_108 = vector.broadcast %and3A : i32 to vector<1024x256xi32>
    %and3A_109 = arith.andi %bitcast_convert_type3A, %and3A_108 : vector<1024x256xi32>
    %or3A = arith.ori %and3A_109, %iota3A : vector<1024x256xi32>
    %reduce_min3A = arith.constant dense<2147483647> : vector<1024xi32>
    %reduce_min3A_110 = vector.multi_reduction <minsi>, %or3A, %reduce_min3A [1] : vector<1024x256xi32> to vector<1024xi32>
    %broadcast_in_dim3A_111 = vector.shape_cast %reduce_min3A_110 : vector<1024xi32> to vector<1024x1xi32>
    %and3A_112 = arith.constant 255 : i32
    %and3A_113 = vector.broadcast %and3A_112 : i32 to vector<1024x1xi32>
    %and3A_114 = arith.andi %broadcast_in_dim3A_111, %and3A_113 : vector<1024x1xi32>
    %eq3A = vector.broadcast %broadcast_in_dim3A_111 : vector<1024x1xi32> to vector<1024x256xi32>
    %eq3A_115 = arith.cmpi eq, %or3A, %eq3A : vector<1024x256xi32>
    %jit3A = arith.constant 2147483647 : i32
    %broadcast_in_dim3A_116 = vector.broadcast %jit3A : i32 to vector<1024x256xi32>
    %select_n3A = arith.select %eq3A_115, %broadcast_in_dim3A_116, %or3A : vector<1024x256xi1>, vector<1024x256xi32>
    %reduce_min3A_117 = arith.constant dense<2147483647> : vector<1024xi32>
    %reduce_min3A_118 = vector.multi_reduction <minsi>, %select_n3A, %reduce_min3A_117 [1] : vector<1024x256xi32> to vector<1024xi32>
    %broadcast_in_dim3A_119 = vector.shape_cast %reduce_min3A_118 : vector<1024xi32> to vector<1024x1xi32>
    %and3A_120 = arith.constant -256 : i32
    %and3A_121 = vector.broadcast %and3A_120 : i32 to vector<1024x1xi32>
    %and3A_122 = arith.andi %broadcast_in_dim3A_111, %and3A_121 : vector<1024x1xi32>
    %bitcast_convert_type3A_123 = tpu.bitcast %and3A_122 : vector<1024x1xi32> -> vector<1024x1xf32>
    %and3A_124 = arith.constant -256 : i32
    %and3A_125 = vector.broadcast %and3A_124 : i32 to vector<1024x1xi32>
    %and3A_126 = arith.andi %broadcast_in_dim3A_119, %and3A_125 : vector<1024x1xi32>
    %bitcast_convert_type3A_127 = tpu.bitcast %and3A_126 : vector<1024x1xi32> -> vector<1024x1xf32>
    %sub3A_128 = arith.subf %bitcast_convert_type3A_127, %bitcast_convert_type3A_123 : vector<1024x1xf32>
    %eq3A_129 = vector.broadcast %and3A_114 : vector<1024x1xi32> to vector<1024x256xi32>
    %eq3A_130 = arith.cmpi eq, %iota3A, %eq3A_129 : vector<1024x256xi32>
    %convert_element_type3A_131 = arith.extui %eq3A_130 : vector<1024x256xi1> to vector<1024x256xi32>
    %convert_element_type3A_132 = arith.sitofp %convert_element_type3A_131 : vector<1024x256xi32> to vector<1024x256xf32>
    %convert_element_type3A_133 = arith.truncf %convert_element_type3A_132 : vector<1024x256xf32> to vector<1024x256xbf16>
    %get3A_134 = arith.constant 0 : index
    %get3A_135 = arith.constant 0 : index
    %get3A_136 = arith.constant 0 : index
    %get3A_137 = vector.load %arg21[%get3A_134, %get3A_135, %get3A_136] : memref<3x256x96xbf16, #tpu.memory_space<vmem>>, vector<1x256x96xbf16>
    %get3A_138 = vector.shape_cast %get3A_137 : vector<1x256x96xbf16> to vector<256x96xbf16>
    %dot_general3A_139 = arith.constant dense<0.000000e+00> : vector<1024x96xf32>
    %dot_general3A_140 = tpu.matmul %convert_element_type3A_133, %get3A_138, %dot_general3A_139 {dimension_numbers = #tpu.dot_dimension_numbers<[1], [0], [0], [1], [0, 0, 1, 1], [], []>, transpose_lhs_hint = false} : vector<1024x256xbf16>, vector<256x96xbf16>, vector<1024x96xf32> -> vector<1024x96xf32>
    %slice3A = vector.extract_strided_slice %dot_general3A_140 {offsets = [0, 0], sizes = [1024, 32], strides = [1, 1]} : vector<1024x96xf32> to vector<1024x32xf32>
    %slice3A_141 = vector.extract_strided_slice %dot_general3A_140 {offsets = [0, 32], sizes = [1024, 32], strides = [1, 1]} : vector<1024x96xf32> to vector<1024x32xf32>
    %add3A_142 = arith.addf %slice3A, %slice3A_141 : vector<1024x32xf32>
    %slice3A_143 = vector.extract_strided_slice %dot_general3A_140 {offsets = [0, 64], sizes = [1024, 32], strides = [1, 1]} : vector<1024x96xf32> to vector<1024x32xf32>
    %add3A_144 = arith.addf %add3A_142, %slice3A_143 : vector<1024x32xf32>
    %sub3A_145 = arith.subf %add3A_76, %add3A_144 : vector<1024x32xf32>
    %integer_pow3A_146 = arith.mulf %sub3A_145, %sub3A_145 : vector<1024x32xf32>
    %add3A_147 = arith.addf %broadcast_in_dim3A_80, %integer_pow3A_146 : vector<1024x32xf32>
    %add3A_148 = arith.addf %broadcast_in_dim3A_78, %add3A_144 : vector<1024x32xf32>
    %sub3A_149 = arith.subf %add3A_76, %add3A_144 : vector<1024x32xf32>
    %mul3A_150 = arith.mulf %sub3A_149, %sub3A_149 : vector<1024x32xf32>
    %reduce_sum3A_151 = arith.constant dense<0.000000e+00> : vector<1024xf32>
    %reduce_sum3A_152 = vector.multi_reduction <add>, %mul3A_150, %reduce_sum3A_151 [1] : vector<1024x32xf32> to vector<1024xf32>
    %broadcast_in_dim3A_153 = vector.shape_cast %reduce_sum3A_152 : vector<1024xf32> to vector<1024x1xf32>
    %get3A_154 = arith.constant 1 : index
    %get3A_155 = arith.constant 0 : index
    %get3A_156 = arith.constant 0 : index
    %get3A_157 = vector.load %arg22[%get3A_154, %get3A_155, %get3A_156] : memref<3x1x256xf32, #tpu.memory_space<vmem>>, vector<1x1x256xf32>
    %get3A_158 = vector.shape_cast %get3A_157 : vector<1x1x256xf32> to vector<1x256xf32>
    %convert_element_type3A_159 = arith.truncf %sub3A_149 : vector<1024x32xf32> to vector<1024x32xbf16>
    %get3A_160 = arith.constant 1 : index
    %get3A_161 = arith.constant 0 : index
    %get3A_162 = arith.constant 0 : index
    %get3A_163 = vector.load %arg20[%get3A_160, %get3A_161, %get3A_162] : memref<3x256x32xbf16, #tpu.memory_space<vmem>>, vector<1x256x32xbf16>
    %get3A_164 = vector.shape_cast %get3A_163 : vector<1x256x32xbf16> to vector<256x32xbf16>
    %dot_general3A_165 = arith.constant dense<0.000000e+00> : vector<1024x256xf32>
    %dot_general3A_166 = tpu.matmul %convert_element_type3A_159, %get3A_164, %dot_general3A_165 {dimension_numbers = #tpu.dot_dimension_numbers<[1], [1], [0], [0], [0, 0, 1, 0], [], []>, transpose_lhs_hint = false} : vector<1024x32xbf16>, vector<256x32xbf16>, vector<1024x256xf32> -> vector<1024x256xf32>
    %add3A_167 = vector.broadcast %broadcast_in_dim3A_153 : vector<1024x1xf32> to vector<1024x256xf32>
    %add3A_168 = vector.broadcast %get3A_158 : vector<1x256xf32> to vector<1024x256xf32>
    %add3A_169 = arith.addf %add3A_167, %add3A_168 : vector<1024x256xf32>
    %mul3A_170 = arith.constant 2.000000e+00 : f32
    %mul3A_171 = vector.broadcast %mul3A_170 : f32 to vector<1024x256xf32>
    %mul3A_172 = arith.mulf %mul3A_171, %dot_general3A_166 : vector<1024x256xf32>
    %sub3A_173 = arith.subf %add3A_169, %mul3A_172 : vector<1024x256xf32>
    %add3A_174 = arith.constant 4.096000e+03 : f32
    %add3A_175 = vector.broadcast %add3A_174 : f32 to vector<1024x256xf32>
    %add3A_176 = arith.addf %sub3A_173, %add3A_175 : vector<1024x256xf32>
    %bitcast_convert_type3A_177 = tpu.bitcast %add3A_176 : vector<1024x256xf32> -> vector<1024x256xi32>
    %and3A_178 = arith.constant -256 : i32
    %and3A_179 = vector.broadcast %and3A_178 : i32 to vector<1024x256xi32>
    %and3A_180 = arith.andi %bitcast_convert_type3A_177, %and3A_179 : vector<1024x256xi32>
    %or3A_181 = arith.ori %and3A_180, %iota3A : vector<1024x256xi32>
    %reduce_min3A_182 = arith.constant dense<2147483647> : vector<1024xi32>
    %reduce_min3A_183 = vector.multi_reduction <minsi>, %or3A_181, %reduce_min3A_182 [1] : vector<1024x256xi32> to vector<1024xi32>
    %broadcast_in_dim3A_184 = vector.shape_cast %reduce_min3A_183 : vector<1024xi32> to vector<1024x1xi32>
    %and3A_185 = arith.constant 255 : i32
    %and3A_186 = vector.broadcast %and3A_185 : i32 to vector<1024x1xi32>
    %and3A_187 = arith.andi %broadcast_in_dim3A_184, %and3A_186 : vector<1024x1xi32>
    %eq3A_188 = vector.broadcast %broadcast_in_dim3A_184 : vector<1024x1xi32> to vector<1024x256xi32>
    %eq3A_189 = arith.cmpi eq, %or3A_181, %eq3A_188 : vector<1024x256xi32>
    %jit3A_190 = arith.constant 2147483647 : i32
    %broadcast_in_dim3A_191 = vector.broadcast %jit3A_190 : i32 to vector<1024x256xi32>
    %select_n3A_192 = arith.select %eq3A_189, %broadcast_in_dim3A_191, %or3A_181 : vector<1024x256xi1>, vector<1024x256xi32>
    %reduce_min3A_193 = arith.constant dense<2147483647> : vector<1024xi32>
    %reduce_min3A_194 = vector.multi_reduction <minsi>, %select_n3A_192, %reduce_min3A_193 [1] : vector<1024x256xi32> to vector<1024xi32>
    %broadcast_in_dim3A_195 = vector.shape_cast %reduce_min3A_194 : vector<1024xi32> to vector<1024x1xi32>
    %and3A_196 = arith.constant -256 : i32
    %and3A_197 = vector.broadcast %and3A_196 : i32 to vector<1024x1xi32>
    %and3A_198 = arith.andi %broadcast_in_dim3A_184, %and3A_197 : vector<1024x1xi32>
    %bitcast_convert_type3A_199 = tpu.bitcast %and3A_198 : vector<1024x1xi32> -> vector<1024x1xf32>
    %and3A_200 = arith.constant -256 : i32
    %and3A_201 = vector.broadcast %and3A_200 : i32 to vector<1024x1xi32>
    %and3A_202 = arith.andi %broadcast_in_dim3A_195, %and3A_201 : vector<1024x1xi32>
    %bitcast_convert_type3A_203 = tpu.bitcast %and3A_202 : vector<1024x1xi32> -> vector<1024x1xf32>
    %sub3A_204 = arith.subf %bitcast_convert_type3A_203, %bitcast_convert_type3A_199 : vector<1024x1xf32>
    %eq3A_205 = vector.broadcast %and3A_187 : vector<1024x1xi32> to vector<1024x256xi32>
    %eq3A_206 = arith.cmpi eq, %iota3A, %eq3A_205 : vector<1024x256xi32>
    %convert_element_type3A_207 = arith.extui %eq3A_206 : vector<1024x256xi1> to vector<1024x256xi32>
    %convert_element_type3A_208 = arith.sitofp %convert_element_type3A_207 : vector<1024x256xi32> to vector<1024x256xf32>
    %convert_element_type3A_209 = arith.truncf %convert_element_type3A_208 : vector<1024x256xf32> to vector<1024x256xbf16>
    %get3A_210 = arith.constant 1 : index
    %get3A_211 = arith.constant 0 : index
    %get3A_212 = arith.constant 0 : index
    %get3A_213 = vector.load %arg21[%get3A_210, %get3A_211, %get3A_212] : memref<3x256x96xbf16, #tpu.memory_space<vmem>>, vector<1x256x96xbf16>
    %get3A_214 = vector.shape_cast %get3A_213 : vector<1x256x96xbf16> to vector<256x96xbf16>
    %dot_general3A_215 = arith.constant dense<0.000000e+00> : vector<1024x96xf32>
    %dot_general3A_216 = tpu.matmul %convert_element_type3A_209, %get3A_214, %dot_general3A_215 {dimension_numbers = #tpu.dot_dimension_numbers<[1], [0], [0], [1], [0, 0, 1, 1], [], []>, transpose_lhs_hint = false} : vector<1024x256xbf16>, vector<256x96xbf16>, vector<1024x96xf32> -> vector<1024x96xf32>
    %slice3A_217 = vector.extract_strided_slice %dot_general3A_216 {offsets = [0, 0], sizes = [1024, 32], strides = [1, 1]} : vector<1024x96xf32> to vector<1024x32xf32>
    %slice3A_218 = vector.extract_strided_slice %dot_general3A_216 {offsets = [0, 32], sizes = [1024, 32], strides = [1, 1]} : vector<1024x96xf32> to vector<1024x32xf32>
    %add3A_219 = arith.addf %slice3A_217, %slice3A_218 : vector<1024x32xf32>
    %slice3A_220 = vector.extract_strided_slice %dot_general3A_216 {offsets = [0, 64], sizes = [1024, 32], strides = [1, 1]} : vector<1024x96xf32> to vector<1024x32xf32>
    %add3A_221 = arith.addf %add3A_219, %slice3A_220 : vector<1024x32xf32>
    %sub3A_222 = arith.subf %sub3A_149, %add3A_221 : vector<1024x32xf32>
    %integer_pow3A_223 = arith.mulf %sub3A_222, %sub3A_222 : vector<1024x32xf32>
    %add3A_224 = arith.addf %add3A_147, %integer_pow3A_223 : vector<1024x32xf32>
    %add3A_225 = arith.addf %add3A_148, %add3A_221 : vector<1024x32xf32>
    %sub3A_226 = arith.subf %sub3A_149, %add3A_221 : vector<1024x32xf32>
    %mul3A_227 = arith.mulf %sub3A_226, %sub3A_226 : vector<1024x32xf32>
    %reduce_sum3A_228 = arith.constant dense<0.000000e+00> : vector<1024xf32>
    %reduce_sum3A_229 = vector.multi_reduction <add>, %mul3A_227, %reduce_sum3A_228 [1] : vector<1024x32xf32> to vector<1024xf32>
    %broadcast_in_dim3A_230 = vector.shape_cast %reduce_sum3A_229 : vector<1024xf32> to vector<1024x1xf32>
    %get3A_231 = arith.constant 2 : index
    %get3A_232 = arith.constant 0 : index
    %get3A_233 = arith.constant 0 : index
    %get3A_234 = vector.load %arg22[%get3A_231, %get3A_232, %get3A_233] : memref<3x1x256xf32, #tpu.memory_space<vmem>>, vector<1x1x256xf32>
    %get3A_235 = vector.shape_cast %get3A_234 : vector<1x1x256xf32> to vector<1x256xf32>
    %convert_element_type3A_236 = arith.truncf %sub3A_226 : vector<1024x32xf32> to vector<1024x32xbf16>
    %get3A_237 = arith.constant 2 : index
    %get3A_238 = arith.constant 0 : index
    %get3A_239 = arith.constant 0 : index
    %get3A_240 = vector.load %arg20[%get3A_237, %get3A_238, %get3A_239] : memref<3x256x32xbf16, #tpu.memory_space<vmem>>, vector<1x256x32xbf16>
    %get3A_241 = vector.shape_cast %get3A_240 : vector<1x256x32xbf16> to vector<256x32xbf16>
    %dot_general3A_242 = arith.constant dense<0.000000e+00> : vector<1024x256xf32>
    %dot_general3A_243 = tpu.matmul %convert_element_type3A_236, %get3A_241, %dot_general3A_242 {dimension_numbers = #tpu.dot_dimension_numbers<[1], [1], [0], [0], [0, 0, 1, 0], [], []>, transpose_lhs_hint = false} : vector<1024x32xbf16>, vector<256x32xbf16>, vector<1024x256xf32> -> vector<1024x256xf32>
    %add3A_244 = vector.broadcast %broadcast_in_dim3A_230 : vector<1024x1xf32> to vector<1024x256xf32>
    %add3A_245 = vector.broadcast %get3A_235 : vector<1x256xf32> to vector<1024x256xf32>
    %add3A_246 = arith.addf %add3A_244, %add3A_245 : vector<1024x256xf32>
    %mul3A_247 = arith.constant 2.000000e+00 : f32
    %mul3A_248 = vector.broadcast %mul3A_247 : f32 to vector<1024x256xf32>
    %mul3A_249 = arith.mulf %mul3A_248, %dot_general3A_243 : vector<1024x256xf32>
    %sub3A_250 = arith.subf %add3A_246, %mul3A_249 : vector<1024x256xf32>
    %add3A_251 = arith.constant 4.096000e+03 : f32
    %add3A_252 = vector.broadcast %add3A_251 : f32 to vector<1024x256xf32>
    %add3A_253 = arith.addf %sub3A_250, %add3A_252 : vector<1024x256xf32>
    %bitcast_convert_type3A_254 = tpu.bitcast %add3A_253 : vector<1024x256xf32> -> vector<1024x256xi32>
    %and3A_255 = arith.constant -256 : i32
    %and3A_256 = vector.broadcast %and3A_255 : i32 to vector<1024x256xi32>
    %and3A_257 = arith.andi %bitcast_convert_type3A_254, %and3A_256 : vector<1024x256xi32>
    %or3A_258 = arith.ori %and3A_257, %iota3A : vector<1024x256xi32>
    %reduce_min3A_259 = arith.constant dense<2147483647> : vector<1024xi32>
    %reduce_min3A_260 = vector.multi_reduction <minsi>, %or3A_258, %reduce_min3A_259 [1] : vector<1024x256xi32> to vector<1024xi32>
    %broadcast_in_dim3A_261 = vector.shape_cast %reduce_min3A_260 : vector<1024xi32> to vector<1024x1xi32>
    %and3A_262 = arith.constant 255 : i32
    %and3A_263 = vector.broadcast %and3A_262 : i32 to vector<1024x1xi32>
    %and3A_264 = arith.andi %broadcast_in_dim3A_261, %and3A_263 : vector<1024x1xi32>
    %eq3A_265 = vector.broadcast %broadcast_in_dim3A_261 : vector<1024x1xi32> to vector<1024x256xi32>
    %eq3A_266 = arith.cmpi eq, %or3A_258, %eq3A_265 : vector<1024x256xi32>
    %jit3A_267 = arith.constant 2147483647 : i32
    %broadcast_in_dim3A_268 = vector.broadcast %jit3A_267 : i32 to vector<1024x256xi32>
    %select_n3A_269 = arith.select %eq3A_266, %broadcast_in_dim3A_268, %or3A_258 : vector<1024x256xi1>, vector<1024x256xi32>
    %reduce_min3A_270 = arith.constant dense<2147483647> : vector<1024xi32>
    %reduce_min3A_271 = vector.multi_reduction <minsi>, %select_n3A_269, %reduce_min3A_270 [1] : vector<1024x256xi32> to vector<1024xi32>
    %broadcast_in_dim3A_272 = vector.shape_cast %reduce_min3A_271 : vector<1024xi32> to vector<1024x1xi32>
    %and3A_273 = arith.constant -256 : i32
    %and3A_274 = vector.broadcast %and3A_273 : i32 to vector<1024x1xi32>
    %and3A_275 = arith.andi %broadcast_in_dim3A_261, %and3A_274 : vector<1024x1xi32>
    %bitcast_convert_type3A_276 = tpu.bitcast %and3A_275 : vector<1024x1xi32> -> vector<1024x1xf32>
    %and3A_277 = arith.constant -256 : i32
    %and3A_278 = vector.broadcast %and3A_277 : i32 to vector<1024x1xi32>
    %and3A_279 = arith.andi %broadcast_in_dim3A_272, %and3A_278 : vector<1024x1xi32>
    %bitcast_convert_type3A_280 = tpu.bitcast %and3A_279 : vector<1024x1xi32> -> vector<1024x1xf32>
    %sub3A_281 = arith.subf %bitcast_convert_type3A_280, %bitcast_convert_type3A_276 : vector<1024x1xf32>
    %eq3A_282 = vector.broadcast %and3A_264 : vector<1024x1xi32> to vector<1024x256xi32>
    %eq3A_283 = arith.cmpi eq, %iota3A, %eq3A_282 : vector<1024x256xi32>
    %convert_element_type3A_284 = arith.extui %eq3A_283 : vector<1024x256xi1> to vector<1024x256xi32>
    %convert_element_type3A_285 = arith.sitofp %convert_element_type3A_284 : vector<1024x256xi32> to vector<1024x256xf32>
    %convert_element_type3A_286 = arith.truncf %convert_element_type3A_285 : vector<1024x256xf32> to vector<1024x256xbf16>
    %get3A_287 = arith.constant 2 : index
    %get3A_288 = arith.constant 0 : index
    %get3A_289 = arith.constant 0 : index
    %get3A_290 = vector.load %arg21[%get3A_287, %get3A_288, %get3A_289] : memref<3x256x96xbf16, #tpu.memory_space<vmem>>, vector<1x256x96xbf16>
    %get3A_291 = vector.shape_cast %get3A_290 : vector<1x256x96xbf16> to vector<256x96xbf16>
    %dot_general3A_292 = arith.constant dense<0.000000e+00> : vector<1024x96xf32>
    %dot_general3A_293 = tpu.matmul %convert_element_type3A_286, %get3A_291, %dot_general3A_292 {dimension_numbers = #tpu.dot_dimension_numbers<[1], [0], [0], [1], [0, 0, 1, 1], [], []>, transpose_lhs_hint = false} : vector<1024x256xbf16>, vector<256x96xbf16>, vector<1024x96xf32> -> vector<1024x96xf32>
    %slice3A_294 = vector.extract_strided_slice %dot_general3A_293 {offsets = [0, 0], sizes = [1024, 32], strides = [1, 1]} : vector<1024x96xf32> to vector<1024x32xf32>
    %slice3A_295 = vector.extract_strided_slice %dot_general3A_293 {offsets = [0, 32], sizes = [1024, 32], strides = [1, 1]} : vector<1024x96xf32> to vector<1024x32xf32>
    %add3A_296 = arith.addf %slice3A_294, %slice3A_295 : vector<1024x32xf32>
    %slice3A_297 = vector.extract_strided_slice %dot_general3A_293 {offsets = [0, 64], sizes = [1024, 32], strides = [1, 1]} : vector<1024x96xf32> to vector<1024x32xf32>
    %add3A_298 = arith.addf %add3A_296, %slice3A_297 : vector<1024x32xf32>
    %sub3A_299 = arith.subf %sub3A_226, %add3A_298 : vector<1024x32xf32>
    %integer_pow3A_300 = arith.mulf %sub3A_299, %sub3A_299 : vector<1024x32xf32>
    %add3A_301 = arith.addf %add3A_224, %integer_pow3A_300 : vector<1024x32xf32>
    %add3A_302 = arith.addf %add3A_225, %add3A_298 : vector<1024x32xf32>
    %swap3A = arith.constant 0 : index
    %swap3A_303 = arith.constant 0 : index
    %swap3A_304 = vector.load %arg25[%swap3A, %swap3A_303] : memref<1024x32xf32, #tpu.memory_space<vmem>>, vector<1024x32xf32>
    tpu.vector_store %arg25[%swap3A, %swap3A_303], %add3A_302 {strides = array<i32>} : memref<1024x32xf32, #tpu.memory_space<vmem>>, vector<1024x32xf32>,
    %concatenate3A = tpu.concatenate %and3A_114, %and3A_187, %and3A_264 in 1 : vector<1024x1xi32>, vector<1024x1xi32>, vector<1024x1xi32> -> vector<1024x3xi32>
    %swap3A_305 = arith.constant 0 : index
    %swap3A_306 = arith.constant 0 : index
    %swap3A_307 = vector.load %arg24[%swap3A_305, %swap3A_306] : memref<1024x3xi32, #tpu.memory_space<vmem>>, vector<1024x3xi32>
    tpu.vector_store %arg24[%swap3A_305, %swap3A_306], %concatenate3A {strides = array<i32>} : memref<1024x3xi32, #tpu.memory_space<vmem>>, vector<1024x3xi32>,
    %concatenate3A_308 = tpu.concatenate %sub3A_128, %sub3A_204, %sub3A_281 in 1 : vector<1024x1xf32>, vector<1024x1xf32>, vector<1024x1xf32> -> vector<1024x3xf32>
    %swap3A_309 = arith.constant 0 : index
    %swap3A_310 = arith.constant 0 : index
    %swap3A_311 = vector.load %arg27[%swap3A_309, %swap3A_310] : memref<1024x3xf32, #tpu.memory_space<vmem>>, vector<1024x3xf32>
    tpu.vector_store %arg27[%swap3A_309, %swap3A_310], %concatenate3A_308 {strides = array<i32>} : memref<1024x3xf32, #tpu.memory_space<vmem>>, vector<1024x3xf32>,
    %convert_element_type3A_312 = arith.truncf %add3A_302 : vector<1024x32xf32> to vector<1024x32xbf16>
    %get3A_313 = arith.constant 0 : index
    %get3A_314 = arith.constant 0 : index
    %get3A_315 = vector.load %arg10[%get3A_313, %get3A_314] : memref<32x128xbf16, #tpu.memory_space<vmem>>, vector<32x128xbf16>
    %dot_general3A_316 = arith.constant dense<0.000000e+00> : vector<1024x128xf32>
    %dot_general3A_317 = tpu.matmul %convert_element_type3A_312, %get3A_315, %dot_general3A_316 {dimension_numbers = #tpu.dot_dimension_numbers<[1], [0], [0], [1], [0, 0, 1, 1], [], []>, transpose_lhs_hint = false} : vector<1024x32xbf16>, vector<32x128xbf16>, vector<1024x128xf32> -> vector<1024x128xf32>
    %get3A_318 = arith.constant 0 : index
    %get3A_319 = arith.constant 0 : index
    %get3A_320 = vector.load %arg11[%get3A_318, %get3A_319] : memref<1x128xf32, #tpu.memory_space<vmem>>, vector<1x128xf32>
    %add3A_321 = vector.broadcast %get3A_320 : vector<1x128xf32> to vector<1024x128xf32>
    %add3A_322 = arith.addf %dot_general3A_317, %add3A_321 : vector<1024x128xf32>
    %max3A_323 = arith.constant 0.000000e+00 : f32
    %max3A_324 = vector.broadcast %max3A_323 : f32 to vector<1024x128xf32>
    %max3A_325 = arith.maximumf %add3A_322, %max3A_324 : vector<1024x128xf32>
    %convert_element_type3A_326 = arith.truncf %max3A_325 : vector<1024x128xf32> to vector<1024x128xbf16>
    %get3A_327 = arith.constant 0 : index
    %get3A_328 = arith.constant 0 : index
    %get3A_329 = vector.load %arg12[%get3A_327, %get3A_328] : memref<128x256xbf16, #tpu.memory_space<vmem>>, vector<128x256xbf16>
    %dot_general3A_330 = arith.constant dense<0.000000e+00> : vector<1024x256xf32>
    %dot_general3A_331 = tpu.matmul %convert_element_type3A_326, %get3A_329, %dot_general3A_330 {dimension_numbers = #tpu.dot_dimension_numbers<[1], [0], [0], [1], [0, 0, 1, 1], [], []>, transpose_lhs_hint = false} : vector<1024x128xbf16>, vector<128x256xbf16>, vector<1024x256xf32> -> vector<1024x256xf32>
    %get3A_332 = arith.constant 0 : index
    %get3A_333 = arith.constant 0 : index
    %get3A_334 = vector.load %arg13[%get3A_332, %get3A_333] : memref<1x256xf32, #tpu.memory_space<vmem>>, vector<1x256xf32>
    %add3A_335 = vector.broadcast %get3A_334 : vector<1x256xf32> to vector<1024x256xf32>
    %add3A_336 = arith.addf %dot_general3A_331, %add3A_335 : vector<1024x256xf32>
    %max3A_337 = arith.constant 0.000000e+00 : f32
    %max3A_338 = vector.broadcast %max3A_337 : f32 to vector<1024x256xf32>
    %max3A_339 = arith.maximumf %add3A_336, %max3A_338 : vector<1024x256xf32>
    %convert_element_type3A_340 = arith.truncf %max3A_339 : vector<1024x256xf32> to vector<1024x256xbf16>
    %get3A_341 = arith.constant 0 : index
    %get3A_342 = arith.constant 0 : index
    %get3A_343 = vector.load %arg14[%get3A_341, %get3A_342] : memref<256x512xbf16, #tpu.memory_space<vmem>>, vector<256x512xbf16>
    %dot_general3A_344 = arith.constant dense<0.000000e+00> : vector<1024x512xf32>
    %dot_general3A_345 = tpu.matmul %convert_element_type3A_340, %get3A_343, %dot_general3A_344 {dimension_numbers = #tpu.dot_dimension_numbers<[1], [0], [0], [1], [0, 0, 1, 1], [], []>, transpose_lhs_hint = false} : vector<1024x256xbf16>, vector<256x512xbf16>, vector<1024x512xf32> -> vector<1024x512xf32>
    %get3A_346 = arith.constant 0 : index
    %get3A_347 = arith.constant 0 : index
    %get3A_348 = vector.load %arg15[%get3A_346, %get3A_347] : memref<1x512xf32, #tpu.memory_space<vmem>>, vector<1x512xf32>
    %add3A_349 = vector.broadcast %get3A_348 : vector<1x512xf32> to vector<1024x512xf32>
    %add3A_350 = arith.addf %dot_general3A_345, %add3A_349 : vector<1024x512xf32>
    %max3A_351 = arith.constant 0.000000e+00 : f32
    %max3A_352 = vector.broadcast %max3A_351 : f32 to vector<1024x512xf32>
    %max3A_353 = arith.maximumf %add3A_350, %max3A_352 : vector<1024x512xf32>
    %convert_element_type3A_354 = arith.truncf %max3A_353 : vector<1024x512xf32> to vector<1024x512xbf16>
    %get3A_355 = arith.constant 0 : index
    %get3A_356 = arith.constant 0 : index
    %get3A_357 = vector.load %arg16[%get3A_355, %get3A_356] : memref<512x768xbf16, #tpu.memory_space<vmem>>, vector<512x768xbf16>
    %dot_general3A_358 = arith.constant dense<0.000000e+00> : vector<1024x768xf32>
    %dot_general3A_359 = tpu.matmul %convert_element_type3A_354, %get3A_357, %dot_general3A_358 {dimension_numbers = #tpu.dot_dimension_numbers<[1], [0], [0], [1], [0, 0, 1, 1], [], []>, transpose_lhs_hint = false} : vector<1024x512xbf16>, vector<512x768xbf16>, vector<1024x768xf32> -> vector<1024x768xf32>
    %get3A_360 = arith.constant 0 : index
    %get3A_361 = arith.constant 0 : index
    %get3A_362 = vector.load %arg17[%get3A_360, %get3A_361] : memref<1x768xf32, #tpu.memory_space<vmem>>, vector<1x768xf32>
    %add3A_363 = vector.broadcast %get3A_362 : vector<1x768xf32> to vector<1024x768xf32>
    %add3A_364 = arith.addf %dot_general3A_359, %add3A_363 : vector<1024x768xf32>
    %swap3A_365 = arith.constant 0 : index
    %swap3A_366 = arith.constant 0 : index
    %swap3A_367 = vector.load %arg23[%swap3A_365, %swap3A_366] : memref<1024x768xf32, #tpu.memory_space<vmem>>, vector<1024x768xf32>
    tpu.vector_store %arg23[%swap3A_365, %swap3A_366], %add3A_364 {strides = array<i32>} : memref<1024x768xf32, #tpu.memory_space<vmem>>, vector<1024x768xf32>,
    %reduce_sum3A_368 = vector.shape_cast %add3A_301 : vector<1024x32xf32> to vector<1x1024x32xf32>
    %reduce_sum3A_369 = arith.constant dense<0.000000e+00> : vector<1xf32>
    %reduce_sum3A_370 = vector.multi_reduction <add>, %reduce_sum3A_368, %reduce_sum3A_369 [1, 2] : vector<1x1024x32xf32> to vector<1xf32>
    %reduce_sum3A_371 = vector.shape_cast %reduce_sum3A_370 : vector<1xf32> to vector<1x1x1xf32>
    %reduce_sum3A_372 = vector.extract %reduce_sum3A_371[0, 0, 0] : f32 from vector<1x1x1xf32>
    %mul3A_373 = arith.constant 2.500000e-01 : f32
    %mul3A_374 = arith.mulf %mul3A_373, %reduce_sum3A_372 : f32
    %div3A_375 = arith.constant 5.242880e+05 : f32
    %div3A_376 = arith.divf %mul3A_374, %div3A_375 : f32
    %reshape3A = vector.broadcast %div3A_376 : f32 to vector<1x1xf32>
    %eq3A_377 = arith.constant 0 : i32
    %eq3A_378 = arith.cmpi eq, %arg0, %eq3A_377 : i32
    %convert_element_type3A_379 = arith.extui %eq3A_378 : i1 to i32
    %cond3A = arith.constant 0 : i32
    %cond3A_380 = arith.cmpi ne, %convert_element_type3A_379, %cond3A : i32
    scf.if %cond3A_380 {
      %swap3A_385 = arith.constant 0 : index
      %swap3A_386 = arith.constant 0 : index
      %swap3A_387 = vector.load %arg26[%swap3A_385, %swap3A_386] : memref<1x1xf32, #tpu.memory_space<vmem>>, vector<1x1xf32>
      tpu.vector_store %arg26[%swap3A_385, %swap3A_386], %reshape3A {strides = array<i32>} : memref<1x1xf32, #tpu.memory_space<vmem>>, vector<1x1xf32>,
    } else {
    }
    %ne3A = arith.constant 0 : i32
    %ne3A_381 = arith.cmpi ne, %arg0, %ne3A : i32
    %convert_element_type3A_382 = arith.extui %ne3A_381 : i1 to i32
    %cond3A_383 = arith.constant 0 : i32
    %cond3A_384 = arith.cmpi ne, %convert_element_type3A_382, %cond3A_383 : i32
    scf.if %cond3A_384 {
      %get3A_385 = arith.constant 0 : index
      %get3A_386 = arith.constant 0 : index
      %get3A_387 = vector.load %arg26[%get3A_385, %get3A_386] : memref<1x1xf32, #tpu.memory_space<vmem>>, vector<1x1xf32>
      %add3A_388 = arith.addf %get3A_387, %reshape3A : vector<1x1xf32>
      %swap3A_389 = arith.constant 0 : index
      %swap3A_390 = arith.constant 0 : index
      %swap3A_391 = vector.load %arg26[%swap3A_389, %swap3A_390] : memref<1x1xf32, #tpu.memory_space<vmem>>, vector<1x1xf32>
      tpu.vector_store %arg26[%swap3A_389, %swap3A_390], %add3A_388 {strides = array<i32>} : memref<1x1xf32, #tpu.memory_space<vmem>>, vector<1x1xf32>,
    } else {
    }
    return
  }
  func.func @transform_0(%arg0: i32) -> (i32, i32) {
    %c0_i32 = arith.constant 0 : i32
    %c0_i32_0 = arith.constant 0 : i32
    return %arg0, %c0_i32 : i32, i32
  }
  func.func @transform_1(%arg0: i32) -> (i32, i32) {
    %c0_i32 = arith.constant 0 : i32
    %c0_i32_0 = arith.constant 0 : i32
    %c0_i32_1 = arith.constant 0 : i32
    return %c0_i32, %c0_i32_0 : i32, i32
  }
  func.func @transform_2(%arg0: i32) -> (i32, i32) {
    %c0_i32 = arith.constant 0 : i32
    %c0_i32_0 = arith.constant 0 : i32
    %c0_i32_1 = arith.constant 0 : i32
    return %c0_i32, %c0_i32_0 : i32, i32
  }
  func.func @transform_3(%arg0: i32) -> (i32, i32) {
    %c0_i32 = arith.constant 0 : i32
    %c0_i32_0 = arith.constant 0 : i32
    %c0_i32_1 = arith.constant 0 : i32
    return %c0_i32, %c0_i32_0 : i32, i32
  }
  func.func @transform_4(%arg0: i32) -> (i32, i32) {
    %c0_i32 = arith.constant 0 : i32
    %c0_i32_0 = arith.constant 0 : i32
    %c0_i32_1 = arith.constant 0 : i32
    return %c0_i32, %c0_i32_0 : i32, i32
  }
  func.func @transform_5(%arg0: i32) -> (i32, i32) {
    %c0_i32 = arith.constant 0 : i32
    %c0_i32_0 = arith.constant 0 : i32
    %c0_i32_1 = arith.constant 0 : i32
    return %c0_i32, %c0_i32_0 : i32, i32
  }
  func.func @transform_6(%arg0: i32) -> (i32, i32) {
    %c0_i32 = arith.constant 0 : i32
    %c0_i32_0 = arith.constant 0 : i32
    %c0_i32_1 = arith.constant 0 : i32
    return %c0_i32, %c0_i32_0 : i32, i32
  }
  func.func @transform_7(%arg0: i32) -> (i32, i32) {
    %c0_i32 = arith.constant 0 : i32
    %c0_i32_0 = arith.constant 0 : i32
    %c0_i32_1 = arith.constant 0 : i32
    return %c0_i32, %c0_i32_0 : i32, i32
  }
  func.func @transform_8(%arg0: i32) -> (i32, i32) {
    %c0_i32 = arith.constant 0 : i32
    %c0_i32_0 = arith.constant 0 : i32
    %c0_i32_1 = arith.constant 0 : i32
    return %c0_i32, %c0_i32_0 : i32, i32
  }
  func.func @transform_9(%arg0: i32) -> (i32, i32) {
    %c0_i32 = arith.constant 0 : i32
    %c0_i32_0 = arith.constant 0 : i32
    %c0_i32_1 = arith.constant 0 : i32
    return %c0_i32, %c0_i32_0 : i32, i32
  }
  func.func @transform_10(%arg0: i32) -> (i32, i32) {
    %c0_i32 = arith.constant 0 : i32
    %c0_i32_0 = arith.constant 0 : i32
    %c0_i32_1 = arith.constant 0 : i32
    return %c0_i32, %c0_i32_0 : i32, i32
  }
  func.func @transform_11(%arg0: i32) -> (i32, i32) {
    %c0_i32 = arith.constant 0 : i32
    %c0_i32_0 = arith.constant 0 : i32
    %c0_i32_1 = arith.constant 0 : i32
    return %c0_i32, %c0_i32_0 : i32, i32
  }
  func.func @transform_12(%arg0: i32) -> (i32, i32) {
    %c0_i32 = arith.constant 0 : i32
    %c0_i32_0 = arith.constant 0 : i32
    %c0_i32_1 = arith.constant 0 : i32
    return %c0_i32, %c0_i32_0 : i32, i32
  }
  func.func @transform_13(%arg0: i32) -> (i32, i32) {
    %c0_i32 = arith.constant 0 : i32
    %c0_i32_0 = arith.constant 0 : i32
    %c0_i32_1 = arith.constant 0 : i32
    return %c0_i32, %c0_i32_0 : i32, i32
  }
  func.func @transform_14(%arg0: i32) -> (i32, i32) {
    %c0_i32 = arith.constant 0 : i32
    %c0_i32_0 = arith.constant 0 : i32
    %c0_i32_1 = arith.constant 0 : i32
    return %c0_i32, %c0_i32_0 : i32, i32
  }
  func.func @transform_15(%arg0: i32) -> (i32, i32) {
    %c0_i32 = arith.constant 0 : i32
    %c0_i32_0 = arith.constant 0 : i32
    %c0_i32_1 = arith.constant 0 : i32
    return %c0_i32, %c0_i32_0 : i32, i32
  }
  func.func @transform_16(%arg0: i32) -> (i32, i32) {
    %c0_i32 = arith.constant 0 : i32
    %c0_i32_0 = arith.constant 0 : i32
    %c0_i32_1 = arith.constant 0 : i32
    return %c0_i32, %c0_i32_0 : i32, i32
  }
  func.func @transform_17(%arg0: i32) -> (i32, i32) {
    %c0_i32 = arith.constant 0 : i32
    %c0_i32_0 = arith.constant 0 : i32
    %c0_i32_1 = arith.constant 0 : i32
    return %c0_i32, %c0_i32_0 : i32, i32
  }
  func.func @transform_18(%arg0: i32) -> (i32, i32) {
    %c0_i32 = arith.constant 0 : i32
    %c0_i32_0 = arith.constant 0 : i32
    %c0_i32_1 = arith.constant 0 : i32
    return %c0_i32, %c0_i32_0 : i32, i32
  }
  func.func @transform_19(%arg0: i32) -> (i32, i32, i32) {
    %c0_i32 = arith.constant 0 : i32
    %c0_i32_0 = arith.constant 0 : i32
    %c0_i32_1 = arith.constant 0 : i32
    %c0_i32_2 = arith.constant 0 : i32
    return %c0_i32, %c0_i32_0, %c0_i32_1 : i32, i32, i32
  }
  func.func @transform_20(%arg0: i32) -> (i32, i32, i32) {
    %c0_i32 = arith.constant 0 : i32
    %c0_i32_0 = arith.constant 0 : i32
    %c0_i32_1 = arith.constant 0 : i32
    %c0_i32_2 = arith.constant 0 : i32
    return %c0_i32, %c0_i32_0, %c0_i32_1 : i32, i32, i32
  }
  func.func @transform_21(%arg0: i32) -> (i32, i32, i32) {
    %c0_i32 = arith.constant 0 : i32
    %c0_i32_0 = arith.constant 0 : i32
    %c0_i32_1 = arith.constant 0 : i32
    %c0_i32_2 = arith.constant 0 : i32
    return %c0_i32, %c0_i32_0, %c0_i32_1 : i32, i32, i32
  }
  func.func @transform_22(%arg0: i32) -> (i32, i32) {
    %c0_i32 = arith.constant 0 : i32
    %c0_i32_0 = arith.constant 0 : i32
    return %arg0, %c0_i32 : i32, i32
  }
  func.func @transform_23(%arg0: i32) -> (i32, i32) {
    %c0_i32 = arith.constant 0 : i32
    %c0_i32_0 = arith.constant 0 : i32
    return %arg0, %c0_i32 : i32, i32
  }
  func.func @transform_24(%arg0: i32) -> (i32, i32) {
    %c0_i32 = arith.constant 0 : i32
    %c0_i32_0 = arith.constant 0 : i32
    return %arg0, %c0_i32 : i32, i32
  }
  func.func @transform_25(%arg0: i32) -> (i32, i32) {
    %c0_i32 = arith.constant 0 : i32
    %c0_i32_0 = arith.constant 0 : i32
    %c0_i32_1 = arith.constant 0 : i32
    return %c0_i32, %c0_i32_0 : i32, i32
  }
  func.func @transform_26(%arg0: i32) -> (i32, i32) {
    %c0_i32 = arith.constant 0 : i32
    %c0_i32_0 = arith.constant 0 : i32
    return %arg0, %c0_i32 : i32, i32
  }
}

</mosaic_0001>

<sc_bundles>
// kernel: scatter_offload_async_start
scs
__scs_entry_jumppad:
0x0: {  	(pc) =	sbr.rel $0x88, $3  }
0x1: {  	(tag) =	ssettag $0x0;
	lr =	simm.s32 $0x1  }
0x2: {  	[smem:$0x3F8D] =	sst lr;
	_ =	strace $0xD0000000  }
0x3: {  	_ = 	snop  }
0x4: {  	_ = 	snop  }
0x5: {  	_ = 	snop  }
0x6: {  	_ = 	snop  }
0x7: {  	_ = 	snop  }
__scs_overlays_trampoline_lowered:
0x8: {  	[smem:$0x3F9C] =	sst s0  }
0x9: {  	[smem:$0x3F9D] =	sst s1  }
0xa: {  	[smem:$0x3F9E] =	sst s2  }
0xb: {  	[smem:$0x3F9F] =	sst s3  }
0xc: {  	[smem:$0x3FA0] =	sst s4  }
0xd: {  	[smem:$0x3FA1] =	sst s5  }
0xe: {  	[smem:$0x3FA2] =	sst s6  }
0xf: {  	[smem:$0x3FA3] =	sst s7  }
0x10: {  	[smem:$0x3FA4] =	sst s8  }
0x11: {  	[smem:$0x3FA5] =	sst s9;
	s0 =	simm.s32 @!p0 $0x0  }
0x12: {  	s1 =	sld [smem:$0x3F8B];
	s0 =	simm.s32 @p0 $0x1  }
0x13: {  	[smem:$0x3FA6] =	sst s0;
	s0 =	simm.s32 @!p1 $0x0  }
0x14: {  	s2 =	sld [smem:$0x3F8A];
	s0 =	simm.s32 @p1 $0x1  }
0x15: {  	[smem:$0x3FA7] =	sst s0;
	s0 =	simm.s32 @!p2 $0x0  }
0x16: {  	s3 =	sld [smem:$0x3FDB];
	s0 =	simm.s32 @p2 $0x1  }
0x17: {  	s4 =	simm.s32 $0x1BF5;
	[smem:$0x3FA9] =	sst s0  }
0x18: {  	s0 =	sld [smem:$0x3F8C];
	_ =	swait.ge [sflag:s4], $0x0  }
0x19: {  	s7 =	sld [smem:$0x3F8D]  }
0x1a: {  	s8 =	sadd.s32 $0xFFFFE003, lr  }
0x1b: {  	s9 =	sadd.s32 $0xFFFFFEF7, lr;
	s5 =	simm.s32 $0xFFFFFFFF;
	p2 =	slt.u32 s8, $0xFFFFF086  }
0x1c: {  	p1 =	slt.u32 s9, $0xF7A;
	s5 =	simm.s32 @!p2 $0x0  }
0x1d: {  	s5 =	simm.s32 @p1 $0x1;
	p0 =	seq.s32 s7, s2  }
0x1e: {  	s7 =	smul.u32 @!p0 $0xF7A, s2;
	p2 =	seq.s32 @!p0 s5, $0x0  }
0x1f: {  	s9 =	smul.u32 $0xF7A, s1;
	s8 =	simm.s32 @!p0 $0x1BF5;
	p2 =	por !p2, p0  }
0x20: {  	[sflag:s8] =	ssyncset.s32 @!p0 $0xFFFFF086;
	s6 =	sadd.s32 @!p0 s3, s7;
	s7 =	simm.s32 @!p0 $0x108  }
0x21: {  	s3 =	sadd.s32 s3, s9;
	s6 =	sadd.s32 @!p0 $0x88, s6;
	s7 =	simm.s32 @p2 $0x1082  }
0x22: {  	[simem:s7], [sflag:s8] =	dma.local @!p0 [hbm:s6], $0xF7A  }
0x23: {  	s9 =	sor.u32 $0xD0000000, s2;
	s6 =	simm.s32 $0x108;
	_ =	swait.ge @!p0 [sflag:s8], $0x0  }
0x24: {  	s3 =	sadd.s32 $0x88, s3;
	s6 =	simm.s32 @!p1 $0x1082;
	[sflag:s4] =	ssyncset.s32 $0xFFFFF086  }
0x25: {  	[simem:s6], [sflag:s4] =	dma.local [hbm:s3], $0xF7A  }
0x26: {  	[smem:$0x3F8D] =	sst s1;
	(tag) =	ssettag s2;
	_ =	strace s9  }
0x27: {  	s1 =	sld [smem:$0x3F9D]  }
0x28: {  	s2 =	sld [smem:$0x3F9E]  }
0x29: {  	s4 =	sld [smem:$0x3FA0]  }
0x2a: {  	p0 =	seq.s32 s5, $0x0;
	s5 =	sld [smem:$0x3FA1]  }
0x2b: {  	s6 =	sld [smem:$0x3FA2]  }
0x2c: {  	s7 =	sld [smem:$0x3FA3]  }
0x2d: {  	s3 =	simm.s32 $0x108;
	s8 =	sld [smem:$0x3FA4]  }
0x2e: {  	s3 =	simm.s32 @!p0 $0x1082;
	s9 =	sld [smem:$0x3FA5]  }
0x2f: {  	lr =	sadd.s32 s0, s3;
	s0 =	sld [smem:$0x3F9C]  }
0x30: {  	s3 =	sld [smem:$0x3F9F]  }
0x31: {  	[smem:$0x3FA8] =	sst s10  }
0x32: {  	s10 =	sld [smem:$0x3FA6];
	_ =	sdelay $0x3  }
0x33: {  	p0 =	seq.s32 s10, $0x1;
	s10 =	sld [smem:$0x3FA8];
	_ =	sdelay $0x3  }
0x34: {  	[smem:$0x3FA8] =	sst s10  }
0x35: {  	s10 =	sld [smem:$0x3FA7];
	_ =	sdelay $0x3  }
0x36: {  	p1 =	seq.s32 s10, $0x1;
	s10 =	sld [smem:$0x3FA8];
	_ =	sdelay $0x3  }
0x37: {  	[smem:$0x3FA8] =	sst s10  }
0x38: {  	s10 =	sld [smem:$0x3FA9]  }
0x39: {  	_ = 	snop;
	(pc) =	sbr.ind lr, $3  }
0x3a: {  	_ = 	snop  }
0x3b: {  	_ = 	snop  }
0x3c: {  	p2 =	seq.s32 s10, $0x1;
	s10 =	sld [smem:$0x3FA8]  }
0x3d: {  	_ =	shalt  }
0x3e: {  	_ =	shalt  }
0x3f: {  	_ =	shalt  }
0x40: {  	_ =	shalt  }
0x41: {  	_ =	shalt  }
0x42: {  	_ =	shalt  }
0x43: {  	_ =	shalt  }
0x44: {  	_ =	shalt  }
0x45: {  	_ =	shalt  }
0x46: {  	_ =	shalt  }
0x47: {  	_ =	shalt  }
0x48: {  	_ =	shalt  }
0x49: {  	_ =	shalt  }
0x4a: {  	_ =	shalt  }
0x4b: {  	_ =	shalt  }
0x4c: {  	_ =	shalt  }
0x4d: {  	_ =	shalt  }
0x4e: {  	_ =	shalt  }
0x4f: {  	_ =	shalt  }
0x50: {  	_ =	shalt  }
0x51: {  	_ =	shalt  }
0x52: {  	_ =	shalt  }
0x53: {  	_ =	shalt  }
0x54: {  	_ =	shalt  }
0x55: {  	_ =	shalt  }
0x56: {  	_ =	shalt  }
0x57: {  	_ =	shalt  }
0x58: {  	_ =	shalt  }
0x59: {  	_ =	shalt  }
0x5a: {  	_ =	shalt  }
0x5b: {  	_ =	shalt  }
0x5c: {  	_ =	shalt  }
0x5d: {  	_ =	shalt  }
0x5e: {  	_ =	shalt  }
0x5f: {  	_ =	shalt  }
0x60: {  	_ =	shalt  }
0x61: {  	_ =	shalt  }
0x62: {  	_ =	shalt  }
0x63: {  	_ =	shalt  }
0x64: {  	_ =	shalt  }
0x65: {  	_ =	shalt  }
0x66: {  	_ =	shalt  }
0x67: {  	_ =	shalt  }
0x68: {  	_ =	shalt  }
0x69: {  	_ =	shalt  }
0x6a: {  	_ =	shalt  }
0x6b: {  	_ =	shalt  }
0x6c: {  	_ =	shalt  }
0x6d: {  	_ =	shalt  }
0x6e: {  	_ =	shalt  }
0x6f: {  	_ =	shalt  }
0x70: {  	_ =	shalt  }
0x71: {  	_ =	shalt  }
0x72: {  	_ =	shalt  }
0x73: {  	_ =	shalt  }
0x74: {  	_ =	shalt  }
0x75: {  	_ =	shalt  }
0x76: {  	_ =	shalt  }
0x77: {  	_ =	shalt  }
0x78: {  	_ =	shalt  }
0x79: {  	_ =	shalt  }
0x7a: {  	_ =	shalt  }
0x7b: {  	_ =	shalt  }
0x7c: {  	_ =	shalt  }
0x7d: {  	_ =	shalt  }
0x7e: {  	_ =	shalt  }
0x7f: {  	_ =	shalt  }
0x80: {  	_ =	shalt  }
0x81: {  	_ =	shalt  }
0x82: {  	_ =	shalt  }
0x83: {  	_ =	shalt  }
0x84: {  	_ =	shalt  }
0x85: {  	_ =	shalt  }
0x86: {  	_ =	shalt  }
0x87: {  	_ =	shalt  }
.Lfunc_end0:
.L_simem_size_0:
called_computation_lowered:
.L_overlay_start_0:
0x88: {  	s0 =	sld [smem:$0x3FD9]  }
0x89: {  	s1 =	sld [smem:$0x3FFE];
	_ =	sdelay $0x3  }
0x8a: {  	s0 =	sadd.s32 s1, s0  }
0x8b: {  	[smem:$0x3FB4] =	sst s0  }
0x8c: {  	_ = 	snop  }
0x8d: {  	s0 =	sld [smem:$0x3FD0];
	_ =	sdelay $0x2  }
0x8e: {  	s13 =	simm.s32 $0xA;
	s2 =	simm.s32 $0x10  }
0x8f: {  	[smem:s2], [sflag:s13] =	dma.local [hbm:s0], $0x1  }
0x90: {  	_ =	swait.eq [sflag:s13], $0x1  }
0x91: {  	[sflag:s13] =	ssyncset.done $0x0  }
0x92: {  	s14 =	sld [smem:$0x11];
	[sflag:s13] =	ssyncadd.s32 $0xFFFFFFFF  }
0x93: {  	s15 =	sld [smem:$0x12];
	(tm) =	ssettm $0x1  }
0x94: {  	s16 =	sld [smem:$0x3FFB];
	_ =	sdelay $0x3  }
0x95: {  	_ =	strace s16  }
0x96: {  	s2 =	sld [smem:$0x3FFC];
	_ =	sdelay $0x3  }
0x97: {  	_ =	strace s2  }
0x98: {  	s2 =	sld [smem:$0x3FFD];
	_ =	sdelay $0x3  }
0x99: {  	_ =	strace s2  }
0x9a: {  	_ =	strace $0x8FFFFFFF  }
0x9b: {  	s17 =	sld [smem:$0x3FDB];
	_ =	sdelay $0x1  }
0x9c: {  	s3 =	simm.s32 $_scs_section_size  }
0x9d: {  	s4 =	simm.s32 $_size__tile_overlayer_lowered;
	s5 =	simm.s32 $_tile_overlayer_lowered  }
0x9e: {  	s20 =	simm.s32 $0x1BFF;
	s19 =	sshll.u32 s5, $0x1;
	s2 =	sadd.s32 s3, s17  }
0x9f: {  	s6 =	simm.s32 $0x0;
	s18 =	sshll.u32 s4, $0x1;
	s4 =	sadd.s32 s19, s2  }
0xa0: {  	[timem:s6], [sflag:s20] =	dma.local [hbm:s4], s18  }
0xa1: {  	_ =	swait.ge [sflag:s20], s18  }
0xa2: {  	s3 =	ssub.s32 $0x0, s18;
	[sflag:s20] =	ssyncset.done $0x0  }
0xa3: {  	[sflag:s20] =	ssyncadd.s32 s3;
	_ =	sdelay $0x1  }
0xa4: {  	s21 =	simm.s32 $0x1B8B  }
0xa5: {  	_ =	swait.ge [sflag:s21], $0x1  }
0xa6: {  	[sflag:s21] =	ssyncset.done $0x0  }
0xa7: {  	s23 =	simm.s32 $0x1B8E;
	s22 =	sld [smem:$0x3FFE];
	[sflag:s21] =	ssyncadd.s32 $0xFFFFFFFF  }
0xa8: {  	s24 =	simm.s32 $execute0_lowered;
	[smem:$0x3FD2] =	sst s23  }
0xa9: {  	s4 =	sshll.u32 s24, $0x1;
	_ =	strace $0x80000046;
	[dreg:$0x1] =	wrdreg $0xFFFFFFFF  }
0xaa: {  	s25 =	simm.s32 $_size_execute0_lowered;
	s2 =	sadd.s32 s2, s4;
	[dreg:$0x0] =	wrdreg $0x0  }
0xab: {  	s4 =	sshll.u32 s25, $0x1;
	[dreg:$0x2] =	wrdreg s2  }
0xac: {  	[dreg:$0x3] =	wrdreg s4  }
0xad: {  	[dreg:$0x4] =	wrdreg $0xC0  }
0xae: {  	_ =	task [dreg:s6], $0x5FFFF  }
0xaf: {  	[dreg:$0x1] =	wrdreg $0xFFFFFFFF  }
0xb0: {  	[dreg:$0x0] =	wrdreg $0x60  }
0xb1: {  	[dreg:$0x2] =	wrdreg s22  }
0xb2: {  	[dreg:$0x3] =	wrdreg s14  }
0xb3: {  	[dreg:$0x4] =	wrdreg s15  }
0xb4: {  	[dreg:$0x5] =	wrdreg $0x9  }
0xb5: {  	_ =	task.clear_ibuf [dreg:s6], $0x6FFFF;
	_ =	strace $0x90000046  }
0xb6: {  	s26 =	simm.s32 $0x9;
	_ =	strace $0x80000048  }
0xb7: {  	_ =	swait.ge [sflag:s26], $0x1  }
0xb8: {  	[sflag:s26] =	ssyncadd.s32 $0xFFFFFFFF  }
0xb9: {  	_ =	strace $0x90000048  }
0xba: {  	_ =	sfence  }
0xbb: {  	s28 =	sld [smem:$0x0];
	_ =	sdelay $0x1  }
0xbc: {  	s29 =	srdreg.scid  }
0xbd: {  	s30 =	sshll.u32 s29, $0xD;
	s31 =	sshrl.u32 s29, $0x2  }
0xbe: {  	s1 =	sand.u32 $0x1, s29;
	s2 =	sand.u32 $0x4000, s30;
	s0 =	sadd.s32 s31, s28  }
0xbf: {  	s1 =	sor.u32 s2, s1;
	s0 =	sshll.u32 s0, $0x11  }
0xc0: {  	s0 =	sor.u32 s0, s1  }
0xc1: {  	s0 =	sadd.s32 $0x8F2B, s0  }
0xc2: {  	[sflag:s0] =	ssyncadd.remote.s32 $0x1  }
0xc3: {  	_ =	sfence.sel $0xFFFF  }
0xc4: {  	[dreg:$0x0] =	wrdreg $0xFFFFFFFF;
	(pc) =	sbr.abs _section_cstart, $3  }
0xc5: {  	[dreg:$0x1] =	wrdreg $0xFFFFFFFF  }
0xc6: {  	_ =	task.clear_ibuf [dreg:s6], $0x2FFFF;
	_ =	strace $0x9FFFFFFF  }
0xc7: {  	(tm) =	ssettm $0x7FFFFFFF  }
tec
execute0_lowered:
.L_overlay_start_1:
0x0: {  	(tag) =	ssettag $0x1  }
0x1: {  	s1 =	rddreg [dreg:$0x0]  }
0x2: {  	s2 =	rddreg [dreg:$0x1]  }
0x3: {  	s3 =	rddreg [dreg:$0x2]  }
0x4: {  	s0 =	rddreg [dreg:$0x3];
	s4 =	stileid.u32  }
0x5: {  	_ =	strace $0x80000047;
	s5 =	simm.s32 $0x3E;
	p0 =	sne.s32 s4, $0x0  }
0x6: {  	[sflag:s5] =	ssyncpa.u1 $0x0;
	s6 =	simm.s32 @!p0 $0x1C3E;
	s7 =	simm.s32 @!p0 $0x0  }
0x7: {  	[spmem:s7], [sflag:s6] =	dma.local @!p0 [hbm:s1], $0x80  }
0x8: {  	s6 =	simm.s32 @!p0 $0x3E  }
0x9: {  	_ =	swait.ge @!p0 [sflag:s6], $0x80  }
0xa: {  	[sflag:s6] =	ssyncset.done @!p0 $0x0  }
0xb: {  	[sflag:s6] =	ssyncadd.s32 @!p0 $0xFFFFFF80  }
0xc: {  	s28 =	simm.s32 $0x1;
	[bflag:$0x0] =	sbarrier.arrive $0xFFFF  }
0xd: {  	s29 =	simm.s32 $0x2;
	s4 =	sshll.u32 s4, $0x7;
	[sflag:s5] =	ssyncpa.u1 $0x1  }
0xe: {  	s31 =	simm.s32 $0x440;
	s30 =	sadd.s32 s2, s4;
	[sflag:s28] =	ssyncpa.u1 $0x0  }
0xf: {  	s2 =	simm.s32 $0x0;
	(ifvalue) =	ssetifvalue $0x400;
	[sflag:s29] =	ssyncpa.u1 $0x0  }
0x10: {  	[tilespmem:s31], [sflag:$0x2] =	stream.linear.gather [hbm4b:s30+s2], $0x400, $0x38;
	[tilespmem:$0x1040] =	vst v63  }
0x11: {  	s4 =	sadd.s32 s3, s4;
	s3 =	simm.s32 $0xC40  }
0x12: {  	[tilespmem:s3], [sflag:$0x2] =	stream.linear.gather [hbm4b:s4+s2], $0x400, $0x38;
	[tilespmem:$0x1040] =	vst v63  }
0x13: {  	_ =	swait.ge [sflag:s29], $0x800  }
0x14: {  	[sflag:s29] =	ssyncset.done $0x0  }
0x15: {  	[sflag:s29] =	ssyncadd.s32 $0xFFFFF800  }
0x16: {  	v0 =	vld.msk [tilespmem:s31+$0x0 ss:$0x1], $0xffff;
	_ =	sdelay $0x4  }
0x17: {  	v0 =	vmin.u32 v0, $0x400;
	_ =	sdelay $0x3  }
0x18: {  	vm0 =	vmmov $0xffff;
	s5 =	simm.s32 $0x450;
	s4 =	simm.s32 $0x0  }
0x19: {  	[spmem:s2] =	stream.indirect_vreg.scatter.add.s32 [tilespmem:s3], [sflag:$0x1], $0x1, v0, vm0, $0x4038;
	[tilespmem:$0x1040] =	vst v63  }
.LBB2_1:
0x1a: {  	v0 =	vld.msk [tilespmem:s5+$0x0 ss:$0x1], $0xffff;
	s4 =	sadd.s32 $0x10, s4  }
0x1b: {  	p1 =	slt.u32 s4, $0x3F0;
	_ =	sdelay $0x4  }
0x1c: {  	v0 =	vmin.u32 v0, $0x400  }
.Ltmp0:
0x1d: {  	(pc) =	sbr.rel @p1 .LBB2_1-.Ltmp0, $3  }
0x1e: {  	_ =	sdelay $0x1  }
0x1f: {  	s5 =	sadd.s32 $0x10, s5;
	s3 =	sadd.s32 $0x10, s3  }
0x20: {  	[spmem:s2] =	stream.indirect_vreg.scatter.add.s32 [tilespmem:s3], [sflag:$0x1], $0x1, v0, vm0, $0x4038;
	[tilespmem:$0x1040] =	vst v63  }
0x21: {  	s2 =	simm.s32 $0x1  }
0x22: {  	_ =	swait.ge [sflag:s2], $0x400  }
0x23: {  	[sflag:s2] =	ssyncset.done $0x0  }
0x24: {  	[sflag:s2] =	ssyncadd.s32 $0xFFFFFC00  }
0x25: {  	_ =	sfence.sel $0x180000  }
0x26: {  	s3 =	simm.s32 $0x2;
	[bflag:$0x0] =	sbarrier.arrive $0xFFFF  }
0x27: {  	[sflag:s3] =	ssyncpa.u1 $0x1  }
0x28: {  	[sflag:s2] =	ssyncpa.u1 $0x1  }
0x29: {  	_ =	sfence.stream.spmem  }
0x2a: {  	s31 =	simm.s32 $0x3D;
	[bflag:$0x0] =	sbarrier.arrive $0xFFFF  }
0x2b: {  	s2 =	simm.s32 @p0 $0x3D;
	[sflag:s31] =	ssyncpa.u1 $0x0  }
0x2c: {  	[sflag:s2] =	ssyncpa.u1 @p0 $0x1  }
0x2d: {  	[bflag:$0x0] =	sbarrier.arrive @p0 $0xFFFF  }
0x2e: {  	_ =	strace @p0 $0x90000047  }
0x2f: {  	s3 =	simm.s32 @!p0 $0x1C3D;
	s2 =	simm.s32 @!p0 $0x0;
	[bflag:$0x2] =	sbarrier.arrive @p0 $0xFFFF  }
0x30: {  	[hbm:s1], [sflag:s3] =	dma.local @!p0 [spmem:s2], $0x80  }
0x31: {  	s1 =	simm.s32 @!p0 $0x3D  }
0x32: {  	_ =	swait.ge @!p0 [sflag:s1], $0x80  }
0x33: {  	[sflag:s1] =	ssyncset.done @!p0 $0x0  }
0x34: {  	[sflag:s1] =	ssyncadd.s32 @!p0 $0xFFFFFF80  }
0x35: {  	[sflag:s1] =	ssyncpa.u1 @!p0 $0x1  }
0x36: {  	[bflag:$0x0] =	sbarrier.arrive @!p0 $0xFFFF  }
0x37: {  	_ =	strace @!p0 $0x90000047  }
0x38: {  	s0 =	sadd.s32 @!p0 $0x100000, s0;
	[bflag:$0x2] =	sbarrier.arrive @!p0 $0xFFFF  }
0x39: {  	[sflag:s0] =	ssyncadd.tile.s32 @!p0 $0x1;
	_ =	shalt  }
.Lfunc_end2:
_tile_overlayer_lowered:
.L_overlay_start_2:
0x3a: {  	(tag) =	ssettag $0x2  }
0x3b: {  	s0 =	rddreg [dreg:$0x0];
	s2 =	stileid.u32  }
0x3c: {  	s1 =	rddreg [dreg:$0x1];
	p0 =	sne.s32 s2, $0x0  }
0x3d: {  	s3 =	rddreg [dreg:$0x2];
	[bflag:$0x3] =	sbarrier.arrive $0xFFFF;
	s2 =	simm.s32 @!p0 $0x1C01  }
0x3e: {  	[timem:s3], [sflag:s2] =	dma.local @!p0 [hbm:s0], s1  }
0x3f: {  	s0 =	simm.s32 @!p0 $0x1  }
0x40: {  	_ =	swait.ge @!p0 [sflag:s0], s1  }
0x41: {  	s1 =	ssub.s32 @!p0 $0x0, s1;
	[sflag:s0] =	ssyncset.done @!p0 $0x0  }
0x42: {  	[sflag:s0] =	ssyncadd.s32 @!p0 s1  }
0x43: {  	[bflag:$0x3] =	sbarrier.arrive $0xFFFF  }
0x44: {  	_ =	shalt  }

</sc_bundles>
